<compile_context>
chip_gen: v7x
topology: tpu7x:2x2x1
jax: 0.10.2.dev20260603
libtpu: 0.0.44.dev20260713+nightly
codegen_flags: <defaults>
</compile_context>

<pallas_src>
import functools

import jax
import jax.numpy as jnp
from jax import lax
from jax.experimental import pallas as pl
from jax.experimental.pallas import tpu as pltpu
from jax.experimental.pallas import tpu_sc as plsc

_NC, _NS = 2, 16
_NW = _NC * _NS
_W = 200
_BPC = 4


def kernel(x, table):
    B, T = x.shape
    V, D = table.shape
    n = B * T
    idx = x.reshape(n).astype(jnp.int32)
    big = jnp.pad(table, ((0, 0), (0, 128 - D)))

    n_per = n // _NW
    b_per = B // _NW
    n_chunks = n_per // _W
    assert n_chunks % 2 == 0

    mesh = plsc.VectorSubcoreMesh(core_axis_name="c", subcore_axis_name="s")

    @functools.partial(
        pl.kernel,
        out_type=jax.ShapeDtypeStruct((B, T, D), jnp.float32),
        mesh=mesh,
        scratch_types=[
            pltpu.VMEM((n_per,), jnp.int32),
            pltpu.VMEM((_W, 128), jnp.float32),
            pltpu.VMEM((_W, 128), jnp.float32),
            pltpu.VMEM((_W, D), jnp.float32),
            pltpu.VMEM((_W, D), jnp.float32),
            pltpu.SemaphoreType.DMA,
            pltpu.SemaphoreType.DMA,
            pltpu.SemaphoreType.DMA,
            pltpu.SemaphoreType.DMA,
        ],
    )
    def _gather(tab_hbm, idx_hbm, out_hbm, idx_all, buf0, buf1, ob0, ob1,
                sg0, sg1, sw0, sw1):
        wid = lax.axis_index("s") * _NC + lax.axis_index("c")
        base = wid * n_per
        b0 = wid * b_per
        pltpu.sync_copy(idx_hbm.at[pl.ds(base, n_per)], idx_all)

        def gather(c, buf, sem):
            pltpu.async_copy(tab_hbm.at[idx_all.at[pl.ds(c * _W, _W)]], buf, sem)

        def wait_gather(buf, sem):
            pltpu.make_async_copy(
                tab_hbm.at[idx_all.at[pl.ds(0, _W)]], buf, sem).wait()

        def repack(buf, ob):
            @pl.loop(0, _W)
            def _(r):
                for k in range(D // 16):
                    ob.at[pl.ds(r, 1), pl.ds(16 * k, 16)][...] = (
                        buf.at[pl.ds(r, 1), pl.ds(16 * k, 16)][...])

        def write(c, ob, sem):
            bc = b0 + c * _BPC
            for j in range(_BPC):
                pltpu.async_copy(ob.at[pl.ds(T * j, T)], out_hbm.at[bc + j], sem)

        def wait_write(ob, sem):
            for j in range(_BPC):
                pltpu.make_async_copy(ob.at[pl.ds(T * j, T)], out_hbm.at[0], sem).wait()

        gather(0, buf0, sg0)
        gather(1, buf1, sg1)

        @pl.loop(0, n_chunks // 2)
        def _(i):
            c = 2 * i
            wait_gather(buf0, sg0)

            @pl.when(i > 0)
            def _():
                wait_write(ob0, sw0)

            repack(buf0, ob0)

            @pl.when(i < n_chunks // 2 - 1)
            def _():
                gather(c + 2, buf0, sg0)

            write(c, ob0, sw0)

            wait_gather(buf1, sg1)

            @pl.when(i > 0)
            def _():
                wait_write(ob1, sw1)

            repack(buf1, ob1)

            @pl.when(i < n_chunks // 2 - 1)
            def _():
                gather(c + 3, buf1, sg1)

            write(c + 1, ob1, sw1)

        wait_write(ob0, sw0)
        wait_write(ob1, sw1)

    return _gather(big, idx)

# --- scband reference (transcript-rebuilt; emitter-appended) ---
"""Pipeline reference for scband-word-embedder-15899968930489 (READ-ONLY COPY).

The authoritative reference and input builder live on the scoring server;
editing this copy changes nothing except your own understanding.
"""

import jax, jax.numpy as jnp
import numpy as np

VOCAB = 100000
EMBED_DIM = 64
BATCH = 4096
HIST_LEN = 50


def setup_inputs(seed: int = 0) -> dict:
    key = jax.random.key(seed)
    k_idx, k_tab = jax.random.split(key)
    x = jax.random.randint(k_idx, (BATCH, HIST_LEN), 0, VOCAB, dtype=jnp.int64) if jax.config.jax_enable_x64 else jax.random.randint(k_idx, (BATCH, HIST_LEN), 0, VOCAB, dtype=jnp.int32)
    table = jax.random.normal(k_tab, (VOCAB, EMBED_DIM), dtype=jnp.float32)
    return {"x": x, "table": table}


def reference(x, table):
    # Faithful translation of nn.Embedding lookup: out[b, t, :] = table[x[b, t], :]
    return jnp.take(table, x, axis=0)

if __name__ == "__main__":
    import jax
    _d = setup_inputs()
    print(jax.jit(kernel)(*tuple(_d.values())))

</pallas_src>

<mosaic_0001>
#map = affine_map<(d0, d1) -> (0, 0)>
#map1 = affine_map<(d0, d1) -> (0)>
#map2 = affine_map<(d0, d1) -> (0, 0, 0)>
module attributes {stable_mosaic.version = 14 : i64} {
  func.func @_gather(%arg0: i32, %arg1: i32, %arg2: memref<100000x128xf32, #tpu.memory_space<hbm>>, %arg3: memref<204800xi32, #tpu.memory_space<hbm>>, %arg4: memref<4096x50x64xf32, #tpu.memory_space<hbm>>, %arg5: memref<6400xi32, #tpu.memory_space<vmem>>, %arg6: memref<200x128xf32, #tpu.memory_space<vmem>>, %arg7: memref<200x128xf32, #tpu.memory_space<vmem>>, %arg8: memref<200x64xf32, #tpu.memory_space<vmem>>, %arg9: memref<200x64xf32, #tpu.memory_space<vmem>>, %arg10: memref<!tpu.dma_semaphore, #tpu.memory_space<semaphore_mem>>, %arg11: memref<!tpu.dma_semaphore, #tpu.memory_space<semaphore_mem>>, %arg12: memref<!tpu.dma_semaphore, #tpu.memory_space<semaphore_mem>>, %arg13: memref<!tpu.dma_semaphore, #tpu.memory_space<semaphore_mem>>) attributes {dimension_semantics = [#tpu.dimension_semantics<core_parallel>, #tpu.dimension_semantics<subcore_parallel>], iteration_bounds = array<i64: 2, 16>, scalar_prefetch = 0 : i64, scratch_operands = 9 : i64, tpu.core_type = #tpu.core_type<sc_vector_subcore>, window_params = [{transform_indices = #map}, {transform_indices = #map1}, {transform_indices = #map2}]} {
    %mul3A = arith.constant 2 : i32
    %mul3A_0 = arith.muli %arg1, %mul3A : i32
    %add3A = arith.addi %mul3A_0, %arg0 : i32
    %mul3A_1 = arith.constant 6400 : i32
    %mul3A_2 = arith.muli %add3A, %mul3A_1 : i32
    %mul3A_3 = arith.constant 128 : i32
    %mul3A_4 = arith.muli %add3A, %mul3A_3 : i32
    "tpu.region"() ({
      %run_scoped3A = tpu.sem_alloc : memref<!tpu.dma_semaphore, #tpu.memory_space<semaphore_mem>>
      %dma_start3A_137 = tpu.memref_slice %arg3[%mul3A_2] : memref<204800xi32, #tpu.memory_space<hbm>> -> memref<6400xi32, #tpu.memory_space<hbm>>
      %dma_start3A_138 = tpu.memref_slice %arg3[%mul3A_2] : memref<204800xi32, #tpu.memory_space<hbm>> -> memref<6400xi32, #tpu.memory_space<hbm>>
      tpu.enqueue_dma source(%dma_start3A_138 : memref<6400xi32, #tpu.memory_space<hbm>>) target(%arg5 : memref<6400xi32, #tpu.memory_space<vmem>>) target_semaphore(%run_scoped3A : memref<!tpu.dma_semaphore, #tpu.memory_space<semaphore_mem>>)
      %dma_wait3A_139 = tpu.memref_slice %arg3[%mul3A_2] : memref<204800xi32, #tpu.memory_space<hbm>> -> memref<6400xi32, #tpu.memory_space<hbm>>
      %dma_wait3A_140 = tpu.memref_slice %arg3[%mul3A_2] : memref<204800xi32, #tpu.memory_space<hbm>> -> memref<6400xi32, #tpu.memory_space<hbm>>
      tpu.wait_dma2 semaphore(%run_scoped3A : memref<!tpu.dma_semaphore, #tpu.memory_space<semaphore_mem>>) src(%dma_wait3A_140 : memref<6400xi32, #tpu.memory_space<hbm>>) dst(%arg5 : memref<6400xi32, #tpu.memory_space<vmem>>)
      tpu.yield
    }) : () -> ()
    %dma_start3A = arith.constant 0 : i32
    %dma_start3A_5 = tpu.memref_slice %arg5[%dma_start3A] : memref<6400xi32, #tpu.memory_space<vmem>> -> memref<200xi32, #tpu.memory_space<vmem>>
    %dma_start3A_6 = arith.constant 0 : i32
    %dma_start3A_7 = arith.constant 0 : i32
    %dma_start3A_8 = tpu.memref_slice %arg2[%dma_start3A_6, %dma_start3A_7] : memref<100000x128xf32, #tpu.memory_space<hbm>> -> memref<100000x128xf32, #tpu.memory_space<hbm>>
    tpu.enqueue_indirect_dma source(%dma_start3A_8 : memref<100000x128xf32, #tpu.memory_space<hbm>>) target(%arg6 : memref<200x128xf32, #tpu.memory_space<vmem>>) offsets(%dma_start3A_5 : memref<200xi32, #tpu.memory_space<vmem>>) semaphore(%arg10 : memref<!tpu.dma_semaphore, #tpu.memory_space<semaphore_mem>>)
    %dma_start3A_9 = arith.constant 200 : i32
    %dma_start3A_10 = tpu.memref_slice %arg5[%dma_start3A_9] : memref<6400xi32, #tpu.memory_space<vmem>> -> memref<200xi32, #tpu.memory_space<vmem>>
    %dma_start3A_11 = arith.constant 0 : i32
    %dma_start3A_12 = arith.constant 0 : i32
    %dma_start3A_13 = tpu.memref_slice %arg2[%dma_start3A_11, %dma_start3A_12] : memref<100000x128xf32, #tpu.memory_space<hbm>> -> memref<100000x128xf32, #tpu.memory_space<hbm>>
    tpu.enqueue_indirect_dma source(%dma_start3A_13 : memref<100000x128xf32, #tpu.memory_space<hbm>>) target(%arg7 : memref<200x128xf32, #tpu.memory_space<vmem>>) offsets(%dma_start3A_10 : memref<200xi32, #tpu.memory_space<vmem>>) semaphore(%arg11 : memref<!tpu.dma_semaphore, #tpu.memory_space<semaphore_mem>>)
    %scan3A = arith.constant 0 : i32
    %scan3A_14 = arith.constant 16 : i32
    %scan3A_15 = arith.addi %scan3A, %scan3A_14 : i32
    %scan3A_16 = arith.constant 1 : i32
    scf.for %scan3A_137 = %scan3A to %scan3A_15 step %scan3A_16  : i32 {
      %mul3A_138 = arith.constant 1 : i32
      %mul3A_139 = arith.muli %scan3A_137, %mul3A_138 : i32
      %add3A_140 = arith.constant 0 : i32
      %add3A_141 = arith.addi %add3A_140, %mul3A_139 : i32
      %mul3A_142 = arith.constant 2 : i32
      %mul3A_143 = arith.muli %mul3A_142, %add3A_141 : i32
      %dma_wait3A_144 = arith.constant 0 : i32
      %dma_wait3A_145 = tpu.memref_slice %arg5[%dma_wait3A_144] : memref<6400xi32, #tpu.memory_space<vmem>> -> memref<200xi32, #tpu.memory_space<vmem>>
      %dma_wait3A_146 = arith.constant 0 : i32
      %dma_wait3A_147 = arith.constant 0 : i32
      %dma_wait3A_148 = tpu.memref_slice %arg2[%dma_wait3A_146, %dma_wait3A_147] : memref<100000x128xf32, #tpu.memory_space<hbm>> -> memref<100000x128xf32, #tpu.memory_space<hbm>>
      tpu.wait_indirect_dma semaphore(%arg10 : memref<!tpu.dma_semaphore, #tpu.memory_space<semaphore_mem>>) src(%dma_wait3A_148 : memref<100000x128xf32, #tpu.memory_space<hbm>>) dst(%arg6 : memref<200x128xf32, #tpu.memory_space<vmem>>)
      %gt3A = arith.constant 0 : i32
      %gt3A_149 = arith.cmpi sgt, %add3A_141, %gt3A : i32
      %convert_element_type3A = arith.extui %gt3A_149 : i1 to i32
      %cond3A = arith.constant 0 : i32
      %cond3A_150 = arith.cmpi ne, %convert_element_type3A, %cond3A : i32
      scf.if %cond3A_150 {
        %dma_wait3A_316 = arith.constant 0 : i32
        %dma_wait3A_317 = arith.constant 0 : i32
        %dma_wait3A_318 = arith.constant 0 : i32
        %dma_wait3A_319 = tpu.memref_slice %arg8[%dma_wait3A_317, %dma_wait3A_318] : memref<200x64xf32, #tpu.memory_space<vmem>> -> memref<50x64xf32, #tpu.memory_space<vmem>>
        %dma_wait3A_320 = arith.constant 0 : i32
        %dma_wait3A_321 = arith.constant 0 : i32
        %dma_wait3A_322 = tpu.memref_slice %arg4[%dma_wait3A_316, %dma_wait3A_320, %dma_wait3A_321] : memref<4096x50x64xf32, #tpu.memory_space<hbm>> -> memref<1x50x64xf32, #tpu.memory_space<hbm>>
        %dma_wait3A_323 = tpu.memref_squeeze %dma_wait3A_322 : memref<1x50x64xf32, #tpu.memory_space<hbm>> -> memref<50x64xf32, #tpu.memory_space<hbm>>
        %dma_wait3A_324 = arith.constant 0 : i32
        %dma_wait3A_325 = arith.constant 0 : i32
        %dma_wait3A_326 = tpu.memref_slice %arg4[%dma_wait3A_316, %dma_wait3A_324, %dma_wait3A_325] : memref<4096x50x64xf32, #tpu.memory_space<hbm>> -> memref<1x50x64xf32, #tpu.memory_space<hbm>>
        %dma_wait3A_327 = tpu.memref_squeeze %dma_wait3A_326 : memref<1x50x64xf32, #tpu.memory_space<hbm>> -> memref<50x64xf32, #tpu.memory_space<hbm>>
        %dma_wait3A_328 = arith.constant 0 : i32
        %dma_wait3A_329 = arith.constant 0 : i32
        %dma_wait3A_330 = tpu.memref_slice %arg8[%dma_wait3A_328, %dma_wait3A_329] : memref<200x64xf32, #tpu.memory_space<vmem>> -> memref<50x64xf32, #tpu.memory_space<vmem>>
        tpu.wait_dma2 semaphore(%arg12 : memref<!tpu.dma_semaphore, #tpu.memory_space<semaphore_mem>>) src(%dma_wait3A_330 : memref<50x64xf32, #tpu.memory_space<vmem>>) dst(%dma_wait3A_327 : memref<50x64xf32, #tpu.memory_space<hbm>>)
        %dma_wait3A_331 = arith.constant 0 : i32
        %dma_wait3A_332 = arith.constant 50 : i32
        %dma_wait3A_333 = arith.constant 0 : i32
        %dma_wait3A_334 = tpu.memref_slice %arg8[%dma_wait3A_332, %dma_wait3A_333] : memref<200x64xf32, #tpu.memory_space<vmem>> -> memref<50x64xf32, #tpu.memory_space<vmem>>
        %dma_wait3A_335 = arith.constant 0 : i32
        %dma_wait3A_336 = arith.constant 0 : i32
        %dma_wait3A_337 = tpu.memref_slice %arg4[%dma_wait3A_331, %dma_wait3A_335, %dma_wait3A_336] : memref<4096x50x64xf32, #tpu.memory_space<hbm>> -> memref<1x50x64xf32, #tpu.memory_space<hbm>>
        %dma_wait3A_338 = tpu.memref_squeeze %dma_wait3A_337 : memref<1x50x64xf32, #tpu.memory_space<hbm>> -> memref<50x64xf32, #tpu.memory_space<hbm>>
        %dma_wait3A_339 = arith.constant 0 : i32
        %dma_wait3A_340 = arith.constant 0 : i32
        %dma_wait3A_341 = tpu.memref_slice %arg4[%dma_wait3A_331, %dma_wait3A_339, %dma_wait3A_340] : memref<4096x50x64xf32, #tpu.memory_space<hbm>> -> memref<1x50x64xf32, #tpu.memory_space<hbm>>
        %dma_wait3A_342 = tpu.memref_squeeze %dma_wait3A_341 : memref<1x50x64xf32, #tpu.memory_space<hbm>> -> memref<50x64xf32, #tpu.memory_space<hbm>>
        %dma_wait3A_343 = arith.constant 50 : i32
        %dma_wait3A_344 = arith.constant 0 : i32
        %dma_wait3A_345 = tpu.memref_slice %arg8[%dma_wait3A_343, %dma_wait3A_344] : memref<200x64xf32, #tpu.memory_space<vmem>> -> memref<50x64xf32, #tpu.memory_space<vmem>>
        tpu.wait_dma2 semaphore(%arg12 : memref<!tpu.dma_semaphore, #tpu.memory_space<semaphore_mem>>) src(%dma_wait3A_345 : memref<50x64xf32, #tpu.memory_space<vmem>>) dst(%dma_wait3A_342 : memref<50x64xf32, #tpu.memory_space<hbm>>)
        %dma_wait3A_346 = arith.constant 0 : i32
        %dma_wait3A_347 = arith.constant 100 : i32
        %dma_wait3A_348 = arith.constant 0 : i32
        %dma_wait3A_349 = tpu.memref_slice %arg8[%dma_wait3A_347, %dma_wait3A_348] : memref<200x64xf32, #tpu.memory_space<vmem>> -> memref<50x64xf32, #tpu.memory_space<vmem>>
        %dma_wait3A_350 = arith.constant 0 : i32
        %dma_wait3A_351 = arith.constant 0 : i32
        %dma_wait3A_352 = tpu.memref_slice %arg4[%dma_wait3A_346, %dma_wait3A_350, %dma_wait3A_351] : memref<4096x50x64xf32, #tpu.memory_space<hbm>> -> memref<1x50x64xf32, #tpu.memory_space<hbm>>
        %dma_wait3A_353 = tpu.memref_squeeze %dma_wait3A_352 : memref<1x50x64xf32, #tpu.memory_space<hbm>> -> memref<50x64xf32, #tpu.memory_space<hbm>>
        %dma_wait3A_354 = arith.constant 0 : i32
        %dma_wait3A_355 = arith.constant 0 : i32
        %dma_wait3A_356 = tpu.memref_slice %arg4[%dma_wait3A_346, %dma_wait3A_354, %dma_wait3A_355] : memref<4096x50x64xf32, #tpu.memory_space<hbm>> -> memref<1x50x64xf32, #tpu.memory_space<hbm>>
        %dma_wait3A_357 = tpu.memref_squeeze %dma_wait3A_356 : memref<1x50x64xf32, #tpu.memory_space<hbm>> -> memref<50x64xf32, #tpu.memory_space<hbm>>
        %dma_wait3A_358 = arith.constant 100 : i32
        %dma_wait3A_359 = arith.constant 0 : i32
        %dma_wait3A_360 = tpu.memref_slice %arg8[%dma_wait3A_358, %dma_wait3A_359] : memref<200x64xf32, #tpu.memory_space<vmem>> -> memref<50x64xf32, #tpu.memory_space<vmem>>
        tpu.wait_dma2 semaphore(%arg12 : memref<!tpu.dma_semaphore, #tpu.memory_space<semaphore_mem>>) src(%dma_wait3A_360 : memref<50x64xf32, #tpu.memory_space<vmem>>) dst(%dma_wait3A_357 : memref<50x64xf32, #tpu.memory_space<hbm>>)
        %dma_wait3A_361 = arith.constant 0 : i32
        %dma_wait3A_362 = arith.constant 150 : i32
        %dma_wait3A_363 = arith.constant 0 : i32
        %dma_wait3A_364 = tpu.memref_slice %arg8[%dma_wait3A_362, %dma_wait3A_363] : memref<200x64xf32, #tpu.memory_space<vmem>> -> memref<50x64xf32, #tpu.memory_space<vmem>>
        %dma_wait3A_365 = arith.constant 0 : i32
        %dma_wait3A_366 = arith.constant 0 : i32
        %dma_wait3A_367 = tpu.memref_slice %arg4[%dma_wait3A_361, %dma_wait3A_365, %dma_wait3A_366] : memref<4096x50x64xf32, #tpu.memory_space<hbm>> -> memref<1x50x64xf32, #tpu.memory_space<hbm>>
        %dma_wait3A_368 = tpu.memref_squeeze %dma_wait3A_367 : memref<1x50x64xf32, #tpu.memory_space<hbm>> -> memref<50x64xf32, #tpu.memory_space<hbm>>
        %dma_wait3A_369 = arith.constant 0 : i32
        %dma_wait3A_370 = arith.constant 0 : i32
        %dma_wait3A_371 = tpu.memref_slice %arg4[%dma_wait3A_361, %dma_wait3A_369, %dma_wait3A_370] : memref<4096x50x64xf32, #tpu.memory_space<hbm>> -> memref<1x50x64xf32, #tpu.memory_space<hbm>>
        %dma_wait3A_372 = tpu.memref_squeeze %dma_wait3A_371 : memref<1x50x64xf32, #tpu.memory_space<hbm>> -> memref<50x64xf32, #tpu.memory_space<hbm>>
        %dma_wait3A_373 = arith.constant 150 : i32
        %dma_wait3A_374 = arith.constant 0 : i32
        %dma_wait3A_375 = tpu.memref_slice %arg8[%dma_wait3A_373, %dma_wait3A_374] : memref<200x64xf32, #tpu.memory_space<vmem>> -> memref<50x64xf32, #tpu.memory_space<vmem>>
        tpu.wait_dma2 semaphore(%arg12 : memref<!tpu.dma_semaphore, #tpu.memory_space<semaphore_mem>>) src(%dma_wait3A_375 : memref<50x64xf32, #tpu.memory_space<vmem>>) dst(%dma_wait3A_372 : memref<50x64xf32, #tpu.memory_space<hbm>>)
      } else {
      }
      %scan3A_151 = arith.constant 0 : i32
      %scan3A_152 = arith.constant 200 : i32
      %scan3A_153 = arith.addi %scan3A_151, %scan3A_152 : i32
      %scan3A_154 = arith.constant 1 : i32
      scf.for %scan3A_316 = %scan3A_151 to %scan3A_153 step %scan3A_154  : i32 {
        %mul3A_317 = arith.constant 1 : i32
        %mul3A_318 = arith.muli %scan3A_316, %mul3A_317 : i32
        %add3A_319 = arith.constant 0 : i32
        %add3A_320 = arith.addi %add3A_319, %mul3A_318 : i32
        %get3A = arith.index_cast %add3A_320 : i32 to index
        %get3A_321 = arith.constant 0 : index
        %get3A_322 = tpu.vector_load %arg6[%get3A, %get3A_321] {strides = array<i32>} : memref<200x128xf32, #tpu.memory_space<vmem>>, vector<1x16xf32>,
        %get3A_323 = vector.shape_cast %get3A_322 : vector<1x16xf32> to vector<1x16xf32>
        %swap3A = arith.index_cast %add3A_320 : i32 to index
        %swap3A_324 = arith.constant 0 : index
        %swap3A_325 = tpu.vector_load %arg8[%swap3A, %swap3A_324] {strides = array<i32>} : memref<200x64xf32, #tpu.memory_space<vmem>>, vector<1x16xf32>,
        %swap3A_326 = vector.shape_cast %swap3A_325 : vector<1x16xf32> to vector<1x16xf32>
        %swap3A_327 = vector.shape_cast %get3A_323 : vector<1x16xf32> to vector<1x16xf32>
        tpu.vector_store %arg8[%swap3A, %swap3A_324], %swap3A_327 {strides = array<i32>} : memref<200x64xf32, #tpu.memory_space<vmem>>, vector<1x16xf32>,
        %get3A_328 = arith.index_cast %add3A_320 : i32 to index
        %get3A_329 = arith.constant 16 : index
        %get3A_330 = tpu.vector_load %arg6[%get3A_328, %get3A_329] {strides = array<i32>} : memref<200x128xf32, #tpu.memory_space<vmem>>, vector<1x16xf32>,
        %get3A_331 = vector.shape_cast %get3A_330 : vector<1x16xf32> to vector<1x16xf32>
        %swap3A_332 = arith.index_cast %add3A_320 : i32 to index
        %swap3A_333 = arith.constant 16 : index
        %swap3A_334 = tpu.vector_load %arg8[%swap3A_332, %swap3A_333] {strides = array<i32>} : memref<200x64xf32, #tpu.memory_space<vmem>>, vector<1x16xf32>,
        %swap3A_335 = vector.shape_cast %swap3A_334 : vector<1x16xf32> to vector<1x16xf32>
        %swap3A_336 = vector.shape_cast %get3A_331 : vector<1x16xf32> to vector<1x16xf32>
        tpu.vector_store %arg8[%swap3A_332, %swap3A_333], %swap3A_336 {strides = array<i32>} : memref<200x64xf32, #tpu.memory_space<vmem>>, vector<1x16xf32>,
        %get3A_337 = arith.index_cast %add3A_320 : i32 to index
        %get3A_338 = arith.constant 32 : index
        %get3A_339 = tpu.vector_load %arg6[%get3A_337, %get3A_338] {strides = array<i32>} : memref<200x128xf32, #tpu.memory_space<vmem>>, vector<1x16xf32>,
        %get3A_340 = vector.shape_cast %get3A_339 : vector<1x16xf32> to vector<1x16xf32>
        %swap3A_341 = arith.index_cast %add3A_320 : i32 to index
        %swap3A_342 = arith.constant 32 : index
        %swap3A_343 = tpu.vector_load %arg8[%swap3A_341, %swap3A_342] {strides = array<i32>} : memref<200x64xf32, #tpu.memory_space<vmem>>, vector<1x16xf32>,
        %swap3A_344 = vector.shape_cast %swap3A_343 : vector<1x16xf32> to vector<1x16xf32>
        %swap3A_345 = vector.shape_cast %get3A_340 : vector<1x16xf32> to vector<1x16xf32>
        tpu.vector_store %arg8[%swap3A_341, %swap3A_342], %swap3A_345 {strides = array<i32>} : memref<200x64xf32, #tpu.memory_space<vmem>>, vector<1x16xf32>,
        %get3A_346 = arith.index_cast %add3A_320 : i32 to index
        %get3A_347 = arith.constant 48 : index
        %get3A_348 = tpu.vector_load %arg6[%get3A_346, %get3A_347] {strides = array<i32>} : memref<200x128xf32, #tpu.memory_space<vmem>>, vector<1x16xf32>,
        %get3A_349 = vector.shape_cast %get3A_348 : vector<1x16xf32> to vector<1x16xf32>
        %swap3A_350 = arith.index_cast %add3A_320 : i32 to index
        %swap3A_351 = arith.constant 48 : index
        %swap3A_352 = tpu.vector_load %arg8[%swap3A_350, %swap3A_351] {strides = array<i32>} : memref<200x64xf32, #tpu.memory_space<vmem>>, vector<1x16xf32>,
        %swap3A_353 = vector.shape_cast %swap3A_352 : vector<1x16xf32> to vector<1x16xf32>
        %swap3A_354 = vector.shape_cast %get3A_349 : vector<1x16xf32> to vector<1x16xf32>
        tpu.vector_store %arg8[%swap3A_350, %swap3A_351], %swap3A_354 {strides = array<i32>} : memref<200x64xf32, #tpu.memory_space<vmem>>, vector<1x16xf32>,
      }
      %scan3A_155 = arith.constant 200 : i32
      %lt3A = arith.constant 15 : i32
      %lt3A_156 = arith.cmpi slt, %add3A_141, %lt3A : i32
      %convert_element_type3A_157 = arith.extui %lt3A_156 : i1 to i32
      %cond3A_158 = arith.constant 0 : i32
      %cond3A_159 = arith.cmpi ne, %convert_element_type3A_157, %cond3A_158 : i32
      scf.if %cond3A_159 {
        %add3A_316 = arith.constant 2 : i32
        %add3A_317 = arith.addi %mul3A_143, %add3A_316 : i32
        %mul3A_318 = arith.constant 200 : i32
        %mul3A_319 = arith.muli %add3A_317, %mul3A_318 : i32
        %dma_start3A_320 = tpu.memref_slice %arg5[%mul3A_319] : memref<6400xi32, #tpu.memory_space<vmem>> -> memref<200xi32, #tpu.memory_space<vmem>>
        %dma_start3A_321 = arith.constant 0 : i32
        %dma_start3A_322 = arith.constant 0 : i32
        %dma_start3A_323 = tpu.memref_slice %arg2[%dma_start3A_321, %dma_start3A_322] : memref<100000x128xf32, #tpu.memory_space<hbm>> -> memref<100000x128xf32, #tpu.memory_space<hbm>>
        tpu.enqueue_indirect_dma source(%dma_start3A_323 : memref<100000x128xf32, #tpu.memory_space<hbm>>) target(%arg6 : memref<200x128xf32, #tpu.memory_space<vmem>>) offsets(%dma_start3A_320 : memref<200xi32, #tpu.memory_space<vmem>>) semaphore(%arg10 : memref<!tpu.dma_semaphore, #tpu.memory_space<semaphore_mem>>)
      } else {
      }
      %mul3A_160 = arith.constant 4 : i32
      %mul3A_161 = arith.muli %mul3A_143, %mul3A_160 : i32
      %add3A_162 = arith.addi %mul3A_4, %mul3A_161 : i32
      %add3A_163 = arith.constant 0 : i32
      %add3A_164 = arith.addi %add3A_162, %add3A_163 : i32
      %dma_start3A_165 = arith.constant 0 : i32
      %dma_start3A_166 = arith.constant 0 : i32
      %dma_start3A_167 = tpu.memref_slice %arg8[%dma_start3A_165, %dma_start3A_166] : memref<200x64xf32, #tpu.memory_space<vmem>> -> memref<50x64xf32, #tpu.memory_space<vmem>>
      %dma_start3A_168 = arith.constant 0 : i32
      %dma_start3A_169 = arith.constant 0 : i32
      %dma_start3A_170 = tpu.memref_slice %arg4[%add3A_164, %dma_start3A_168, %dma_start3A_169] : memref<4096x50x64xf32, #tpu.memory_space<hbm>> -> memref<1x50x64xf32, #tpu.memory_space<hbm>>
      %dma_start3A_171 = tpu.memref_squeeze %dma_start3A_170 : memref<1x50x64xf32, #tpu.memory_space<hbm>> -> memref<50x64xf32, #tpu.memory_space<hbm>>
      %dma_start3A_172 = arith.constant 0 : i32
      %dma_start3A_173 = arith.constant 0 : i32
      %dma_start3A_174 = tpu.memref_slice %arg4[%add3A_164, %dma_start3A_172, %dma_start3A_173] : memref<4096x50x64xf32, #tpu.memory_space<hbm>> -> memref<1x50x64xf32, #tpu.memory_space<hbm>>
      %dma_start3A_175 = tpu.memref_squeeze %dma_start3A_174 : memref<1x50x64xf32, #tpu.memory_space<hbm>> -> memref<50x64xf32, #tpu.memory_space<hbm>>
      %dma_start3A_176 = arith.constant 0 : i32
      %dma_start3A_177 = arith.constant 0 : i32
      %dma_start3A_178 = tpu.memref_slice %arg8[%dma_start3A_176, %dma_start3A_177] : memref<200x64xf32, #tpu.memory_space<vmem>> -> memref<50x64xf32, #tpu.memory_space<vmem>>
      tpu.enqueue_dma source(%dma_start3A_178 : memref<50x64xf32, #tpu.memory_space<vmem>>) target(%dma_start3A_175 : memref<50x64xf32, #tpu.memory_space<hbm>>) target_semaphore(%arg12 : memref<!tpu.dma_semaphore, #tpu.memory_space<semaphore_mem>>)
      %add3A_179 = arith.constant 1 : i32
      %add3A_180 = arith.addi %add3A_162, %add3A_179 : i32
      %dma_start3A_181 = arith.constant 50 : i32
      %dma_start3A_182 = arith.constant 0 : i32
      %dma_start3A_183 = tpu.memref_slice %arg8[%dma_start3A_181, %dma_start3A_182] : memref<200x64xf32, #tpu.memory_space<vmem>> -> memref<50x64xf32, #tpu.memory_space<vmem>>
      %dma_start3A_184 = arith.constant 0 : i32
      %dma_start3A_185 = arith.constant 0 : i32
      %dma_start3A_186 = tpu.memref_slice %arg4[%add3A_180, %dma_start3A_184, %dma_start3A_185] : memref<4096x50x64xf32, #tpu.memory_space<hbm>> -> memref<1x50x64xf32, #tpu.memory_space<hbm>>
      %dma_start3A_187 = tpu.memref_squeeze %dma_start3A_186 : memref<1x50x64xf32, #tpu.memory_space<hbm>> -> memref<50x64xf32, #tpu.memory_space<hbm>>
      %dma_start3A_188 = arith.constant 0 : i32
      %dma_start3A_189 = arith.constant 0 : i32
      %dma_start3A_190 = tpu.memref_slice %arg4[%add3A_180, %dma_start3A_188, %dma_start3A_189] : memref<4096x50x64xf32, #tpu.memory_space<hbm>> -> memref<1x50x64xf32, #tpu.memory_space<hbm>>
      %dma_start3A_191 = tpu.memref_squeeze %dma_start3A_190 : memref<1x50x64xf32, #tpu.memory_space<hbm>> -> memref<50x64xf32, #tpu.memory_space<hbm>>
      %dma_start3A_192 = arith.constant 50 : i32
      %dma_start3A_193 = arith.constant 0 : i32
      %dma_start3A_194 = tpu.memref_slice %arg8[%dma_start3A_192, %dma_start3A_193] : memref<200x64xf32, #tpu.memory_space<vmem>> -> memref<50x64xf32, #tpu.memory_space<vmem>>
      tpu.enqueue_dma source(%dma_start3A_194 : memref<50x64xf32, #tpu.memory_space<vmem>>) target(%dma_start3A_191 : memref<50x64xf32, #tpu.memory_space<hbm>>) target_semaphore(%arg12 : memref<!tpu.dma_semaphore, #tpu.memory_space<semaphore_mem>>)
      %add3A_195 = arith.constant 2 : i32
      %add3A_196 = arith.addi %add3A_162, %add3A_195 : i32
      %dma_start3A_197 = arith.constant 100 : i32
      %dma_start3A_198 = arith.constant 0 : i32
      %dma_start3A_199 = tpu.memref_slice %arg8[%dma_start3A_197, %dma_start3A_198] : memref<200x64xf32, #tpu.memory_space<vmem>> -> memref<50x64xf32, #tpu.memory_space<vmem>>
      %dma_start3A_200 = arith.constant 0 : i32
      %dma_start3A_201 = arith.constant 0 : i32
      %dma_start3A_202 = tpu.memref_slice %arg4[%add3A_196, %dma_start3A_200, %dma_start3A_201] : memref<4096x50x64xf32, #tpu.memory_space<hbm>> -> memref<1x50x64xf32, #tpu.memory_space<hbm>>
      %dma_start3A_203 = tpu.memref_squeeze %dma_start3A_202 : memref<1x50x64xf32, #tpu.memory_space<hbm>> -> memref<50x64xf32, #tpu.memory_space<hbm>>
      %dma_start3A_204 = arith.constant 0 : i32
      %dma_start3A_205 = arith.constant 0 : i32
      %dma_start3A_206 = tpu.memref_slice %arg4[%add3A_196, %dma_start3A_204, %dma_start3A_205] : memref<4096x50x64xf32, #tpu.memory_space<hbm>> -> memref<1x50x64xf32, #tpu.memory_space<hbm>>
      %dma_start3A_207 = tpu.memref_squeeze %dma_start3A_206 : memref<1x50x64xf32, #tpu.memory_space<hbm>> -> memref<50x64xf32, #tpu.memory_space<hbm>>
      %dma_start3A_208 = arith.constant 100 : i32
      %dma_start3A_209 = arith.constant 0 : i32
      %dma_start3A_210 = tpu.memref_slice %arg8[%dma_start3A_208, %dma_start3A_209] : memref<200x64xf32, #tpu.memory_space<vmem>> -> memref<50x64xf32, #tpu.memory_space<vmem>>
      tpu.enqueue_dma source(%dma_start3A_210 : memref<50x64xf32, #tpu.memory_space<vmem>>) target(%dma_start3A_207 : memref<50x64xf32, #tpu.memory_space<hbm>>) target_semaphore(%arg12 : memref<!tpu.dma_semaphore, #tpu.memory_space<semaphore_mem>>)
      %add3A_211 = arith.constant 3 : i32
      %add3A_212 = arith.addi %add3A_162, %add3A_211 : i32
      %dma_start3A_213 = arith.constant 150 : i32
      %dma_start3A_214 = arith.constant 0 : i32
      %dma_start3A_215 = tpu.memref_slice %arg8[%dma_start3A_213, %dma_start3A_214] : memref<200x64xf32, #tpu.memory_space<vmem>> -> memref<50x64xf32, #tpu.memory_space<vmem>>
      %dma_start3A_216 = arith.constant 0 : i32
      %dma_start3A_217 = arith.constant 0 : i32
      %dma_start3A_218 = tpu.memref_slice %arg4[%add3A_212, %dma_start3A_216, %dma_start3A_217] : memref<4096x50x64xf32, #tpu.memory_space<hbm>> -> memref<1x50x64xf32, #tpu.memory_space<hbm>>
      %dma_start3A_219 = tpu.memref_squeeze %dma_start3A_218 : memref<1x50x64xf32, #tpu.memory_space<hbm>> -> memref<50x64xf32, #tpu.memory_space<hbm>>
      %dma_start3A_220 = arith.constant 0 : i32
      %dma_start3A_221 = arith.constant 0 : i32
      %dma_start3A_222 = tpu.memref_slice %arg4[%add3A_212, %dma_start3A_220, %dma_start3A_221] : memref<4096x50x64xf32, #tpu.memory_space<hbm>> -> memref<1x50x64xf32, #tpu.memory_space<hbm>>
      %dma_start3A_223 = tpu.memref_squeeze %dma_start3A_222 : memref<1x50x64xf32, #tpu.memory_space<hbm>> -> memref<50x64xf32, #tpu.memory_space<hbm>>
      %dma_start3A_224 = arith.constant 150 : i32
      %dma_start3A_225 = arith.constant 0 : i32
      %dma_start3A_226 = tpu.memref_slice %arg8[%dma_start3A_224, %dma_start3A_225] : memref<200x64xf32, #tpu.memory_space<vmem>> -> memref<50x64xf32, #tpu.memory_space<vmem>>
      tpu.enqueue_dma source(%dma_start3A_226 : memref<50x64xf32, #tpu.memory_space<vmem>>) target(%dma_start3A_223 : memref<50x64xf32, #tpu.memory_space<hbm>>) target_semaphore(%arg12 : memref<!tpu.dma_semaphore, #tpu.memory_space<semaphore_mem>>)
      %dma_wait3A_227 = arith.constant 0 : i32
      %dma_wait3A_228 = tpu.memref_slice %arg5[%dma_wait3A_227] : memref<6400xi32, #tpu.memory_space<vmem>> -> memref<200xi32, #tpu.memory_space<vmem>>
      %dma_wait3A_229 = arith.constant 0 : i32
      %dma_wait3A_230 = arith.constant 0 : i32
      %dma_wait3A_231 = tpu.memref_slice %arg2[%dma_wait3A_229, %dma_wait3A_230] : memref<100000x128xf32, #tpu.memory_space<hbm>> -> memref<100000x128xf32, #tpu.memory_space<hbm>>
      tpu.wait_indirect_dma semaphore(%arg11 : memref<!tpu.dma_semaphore, #tpu.memory_space<semaphore_mem>>) src(%dma_wait3A_231 : memref<100000x128xf32, #tpu.memory_space<hbm>>) dst(%arg7 : memref<200x128xf32, #tpu.memory_space<vmem>>)
      %gt3A_232 = arith.constant 0 : i32
      %gt3A_233 = arith.cmpi sgt, %add3A_141, %gt3A_232 : i32
      %convert_element_type3A_234 = arith.extui %gt3A_233 : i1 to i32
      %cond3A_235 = arith.constant 0 : i32
      %cond3A_236 = arith.cmpi ne, %convert_element_type3A_234, %cond3A_235 : i32
      scf.if %cond3A_236 {
        %dma_wait3A_316 = arith.constant 0 : i32
        %dma_wait3A_317 = arith.constant 0 : i32
        %dma_wait3A_318 = arith.constant 0 : i32
        %dma_wait3A_319 = tpu.memref_slice %arg9[%dma_wait3A_317, %dma_wait3A_318] : memref<200x64xf32, #tpu.memory_space<vmem>> -> memref<50x64xf32, #tpu.memory_space<vmem>>
        %dma_wait3A_320 = arith.constant 0 : i32
        %dma_wait3A_321 = arith.constant 0 : i32
        %dma_wait3A_322 = tpu.memref_slice %arg4[%dma_wait3A_316, %dma_wait3A_320, %dma_wait3A_321] : memref<4096x50x64xf32, #tpu.memory_space<hbm>> -> memref<1x50x64xf32, #tpu.memory_space<hbm>>
        %dma_wait3A_323 = tpu.memref_squeeze %dma_wait3A_322 : memref<1x50x64xf32, #tpu.memory_space<hbm>> -> memref<50x64xf32, #tpu.memory_space<hbm>>
        %dma_wait3A_324 = arith.constant 0 : i32
        %dma_wait3A_325 = arith.constant 0 : i32
        %dma_wait3A_326 = tpu.memref_slice %arg4[%dma_wait3A_316, %dma_wait3A_324, %dma_wait3A_325] : memref<4096x50x64xf32, #tpu.memory_space<hbm>> -> memref<1x50x64xf32, #tpu.memory_space<hbm>>
        %dma_wait3A_327 = tpu.memref_squeeze %dma_wait3A_326 : memref<1x50x64xf32, #tpu.memory_space<hbm>> -> memref<50x64xf32, #tpu.memory_space<hbm>>
        %dma_wait3A_328 = arith.constant 0 : i32
        %dma_wait3A_329 = arith.constant 0 : i32
        %dma_wait3A_330 = tpu.memref_slice %arg9[%dma_wait3A_328, %dma_wait3A_329] : memref<200x64xf32, #tpu.memory_space<vmem>> -> memref<50x64xf32, #tpu.memory_space<vmem>>
        tpu.wait_dma2 semaphore(%arg13 : memref<!tpu.dma_semaphore, #tpu.memory_space<semaphore_mem>>) src(%dma_wait3A_330 : memref<50x64xf32, #tpu.memory_space<vmem>>) dst(%dma_wait3A_327 : memref<50x64xf32, #tpu.memory_space<hbm>>)
        %dma_wait3A_331 = arith.constant 0 : i32
        %dma_wait3A_332 = arith.constant 50 : i32
        %dma_wait3A_333 = arith.constant 0 : i32
        %dma_wait3A_334 = tpu.memref_slice %arg9[%dma_wait3A_332, %dma_wait3A_333] : memref<200x64xf32, #tpu.memory_space<vmem>> -> memref<50x64xf32, #tpu.memory_space<vmem>>
        %dma_wait3A_335 = arith.constant 0 : i32
        %dma_wait3A_336 = arith.constant 0 : i32
        %dma_wait3A_337 = tpu.memref_slice %arg4[%dma_wait3A_331, %dma_wait3A_335, %dma_wait3A_336] : memref<4096x50x64xf32, #tpu.memory_space<hbm>> -> memref<1x50x64xf32, #tpu.memory_space<hbm>>
        %dma_wait3A_338 = tpu.memref_squeeze %dma_wait3A_337 : memref<1x50x64xf32, #tpu.memory_space<hbm>> -> memref<50x64xf32, #tpu.memory_space<hbm>>
        %dma_wait3A_339 = arith.constant 0 : i32
        %dma_wait3A_340 = arith.constant 0 : i32
        %dma_wait3A_341 = tpu.memref_slice %arg4[%dma_wait3A_331, %dma_wait3A_339, %dma_wait3A_340] : memref<4096x50x64xf32, #tpu.memory_space<hbm>> -> memref<1x50x64xf32, #tpu.memory_space<hbm>>
        %dma_wait3A_342 = tpu.memref_squeeze %dma_wait3A_341 : memref<1x50x64xf32, #tpu.memory_space<hbm>> -> memref<50x64xf32, #tpu.memory_space<hbm>>
        %dma_wait3A_343 = arith.constant 50 : i32
        %dma_wait3A_344 = arith.constant 0 : i32
        %dma_wait3A_345 = tpu.memref_slice %arg9[%dma_wait3A_343, %dma_wait3A_344] : memref<200x64xf32, #tpu.memory_space<vmem>> -> memref<50x64xf32, #tpu.memory_space<vmem>>
        tpu.wait_dma2 semaphore(%arg13 : memref<!tpu.dma_semaphore, #tpu.memory_space<semaphore_mem>>) src(%dma_wait3A_345 : memref<50x64xf32, #tpu.memory_space<vmem>>) dst(%dma_wait3A_342 : memref<50x64xf32, #tpu.memory_space<hbm>>)
        %dma_wait3A_346 = arith.constant 0 : i32
        %dma_wait3A_347 = arith.constant 100 : i32
        %dma_wait3A_348 = arith.constant 0 : i32
        %dma_wait3A_349 = tpu.memref_slice %arg9[%dma_wait3A_347, %dma_wait3A_348] : memref<200x64xf32, #tpu.memory_space<vmem>> -> memref<50x64xf32, #tpu.memory_space<vmem>>
        %dma_wait3A_350 = arith.constant 0 : i32
        %dma_wait3A_351 = arith.constant 0 : i32
        %dma_wait3A_352 = tpu.memref_slice %arg4[%dma_wait3A_346, %dma_wait3A_350, %dma_wait3A_351] : memref<4096x50x64xf32, #tpu.memory_space<hbm>> -> memref<1x50x64xf32, #tpu.memory_space<hbm>>
        %dma_wait3A_353 = tpu.memref_squeeze %dma_wait3A_352 : memref<1x50x64xf32, #tpu.memory_space<hbm>> -> memref<50x64xf32, #tpu.memory_space<hbm>>
        %dma_wait3A_354 = arith.constant 0 : i32
        %dma_wait3A_355 = arith.constant 0 : i32
        %dma_wait3A_356 = tpu.memref_slice %arg4[%dma_wait3A_346, %dma_wait3A_354, %dma_wait3A_355] : memref<4096x50x64xf32, #tpu.memory_space<hbm>> -> memref<1x50x64xf32, #tpu.memory_space<hbm>>
        %dma_wait3A_357 = tpu.memref_squeeze %dma_wait3A_356 : memref<1x50x64xf32, #tpu.memory_space<hbm>> -> memref<50x64xf32, #tpu.memory_space<hbm>>
        %dma_wait3A_358 = arith.constant 100 : i32
        %dma_wait3A_359 = arith.constant 0 : i32
        %dma_wait3A_360 = tpu.memref_slice %arg9[%dma_wait3A_358, %dma_wait3A_359] : memref<200x64xf32, #tpu.memory_space<vmem>> -> memref<50x64xf32, #tpu.memory_space<vmem>>
        tpu.wait_dma2 semaphore(%arg13 : memref<!tpu.dma_semaphore, #tpu.memory_space<semaphore_mem>>) src(%dma_wait3A_360 : memref<50x64xf32, #tpu.memory_space<vmem>>) dst(%dma_wait3A_357 : memref<50x64xf32, #tpu.memory_space<hbm>>)
        %dma_wait3A_361 = arith.constant 0 : i32
        %dma_wait3A_362 = arith.constant 150 : i32
        %dma_wait3A_363 = arith.constant 0 : i32
        %dma_wait3A_364 = tpu.memref_slice %arg9[%dma_wait3A_362, %dma_wait3A_363] : memref<200x64xf32, #tpu.memory_space<vmem>> -> memref<50x64xf32, #tpu.memory_space<vmem>>
        %dma_wait3A_365 = arith.constant 0 : i32
        %dma_wait3A_366 = arith.constant 0 : i32
        %dma_wait3A_367 = tpu.memref_slice %arg4[%dma_wait3A_361, %dma_wait3A_365, %dma_wait3A_366] : memref<4096x50x64xf32, #tpu.memory_space<hbm>> -> memref<1x50x64xf32, #tpu.memory_space<hbm>>
        %dma_wait3A_368 = tpu.memref_squeeze %dma_wait3A_367 : memref<1x50x64xf32, #tpu.memory_space<hbm>> -> memref<50x64xf32, #tpu.memory_space<hbm>>
        %dma_wait3A_369 = arith.constant 0 : i32
        %dma_wait3A_370 = arith.constant 0 : i32
        %dma_wait3A_371 = tpu.memref_slice %arg4[%dma_wait3A_361, %dma_wait3A_369, %dma_wait3A_370] : memref<4096x50x64xf32, #tpu.memory_space<hbm>> -> memref<1x50x64xf32, #tpu.memory_space<hbm>>
        %dma_wait3A_372 = tpu.memref_squeeze %dma_wait3A_371 : memref<1x50x64xf32, #tpu.memory_space<hbm>> -> memref<50x64xf32, #tpu.memory_space<hbm>>
        %dma_wait3A_373 = arith.constant 150 : i32
        %dma_wait3A_374 = arith.constant 0 : i32
        %dma_wait3A_375 = tpu.memref_slice %arg9[%dma_wait3A_373, %dma_wait3A_374] : memref<200x64xf32, #tpu.memory_space<vmem>> -> memref<50x64xf32, #tpu.memory_space<vmem>>
        tpu.wait_dma2 semaphore(%arg13 : memref<!tpu.dma_semaphore, #tpu.memory_space<semaphore_mem>>) src(%dma_wait3A_375 : memref<50x64xf32, #tpu.memory_space<vmem>>) dst(%dma_wait3A_372 : memref<50x64xf32, #tpu.memory_space<hbm>>)
      } else {
      }
      %scan3A_237 = arith.constant 0 : i32
      %scan3A_238 = arith.constant 200 : i32
      %scan3A_239 = arith.addi %scan3A_237, %scan3A_238 : i32
      %scan3A_240 = arith.constant 1 : i32
      scf.for %scan3A_316 = %scan3A_237 to %scan3A_239 step %scan3A_240  : i32 {
        %mul3A_317 = arith.constant 1 : i32
        %mul3A_318 = arith.muli %scan3A_316, %mul3A_317 : i32
        %add3A_319 = arith.constant 0 : i32
        %add3A_320 = arith.addi %add3A_319, %mul3A_318 : i32
        %get3A = arith.index_cast %add3A_320 : i32 to index
        %get3A_321 = arith.constant 0 : index
        %get3A_322 = tpu.vector_load %arg7[%get3A, %get3A_321] {strides = array<i32>} : memref<200x128xf32, #tpu.memory_space<vmem>>, vector<1x16xf32>,
        %get3A_323 = vector.shape_cast %get3A_322 : vector<1x16xf32> to vector<1x16xf32>
        %swap3A = arith.index_cast %add3A_320 : i32 to index
        %swap3A_324 = arith.constant 0 : index
        %swap3A_325 = tpu.vector_load %arg9[%swap3A, %swap3A_324] {strides = array<i32>} : memref<200x64xf32, #tpu.memory_space<vmem>>, vector<1x16xf32>,
        %swap3A_326 = vector.shape_cast %swap3A_325 : vector<1x16xf32> to vector<1x16xf32>
        %swap3A_327 = vector.shape_cast %get3A_323 : vector<1x16xf32> to vector<1x16xf32>
        tpu.vector_store %arg9[%swap3A, %swap3A_324], %swap3A_327 {strides = array<i32>} : memref<200x64xf32, #tpu.memory_space<vmem>>, vector<1x16xf32>,
        %get3A_328 = arith.index_cast %add3A_320 : i32 to index
        %get3A_329 = arith.constant 16 : index
        %get3A_330 = tpu.vector_load %arg7[%get3A_328, %get3A_329] {strides = array<i32>} : memref<200x128xf32, #tpu.memory_space<vmem>>, vector<1x16xf32>,
        %get3A_331 = vector.shape_cast %get3A_330 : vector<1x16xf32> to vector<1x16xf32>
        %swap3A_332 = arith.index_cast %add3A_320 : i32 to index
        %swap3A_333 = arith.constant 16 : index
        %swap3A_334 = tpu.vector_load %arg9[%swap3A_332, %swap3A_333] {strides = array<i32>} : memref<200x64xf32, #tpu.memory_space<vmem>>, vector<1x16xf32>,
        %swap3A_335 = vector.shape_cast %swap3A_334 : vector<1x16xf32> to vector<1x16xf32>
        %swap3A_336 = vector.shape_cast %get3A_331 : vector<1x16xf32> to vector<1x16xf32>
        tpu.vector_store %arg9[%swap3A_332, %swap3A_333], %swap3A_336 {strides = array<i32>} : memref<200x64xf32, #tpu.memory_space<vmem>>, vector<1x16xf32>,
        %get3A_337 = arith.index_cast %add3A_320 : i32 to index
        %get3A_338 = arith.constant 32 : index
        %get3A_339 = tpu.vector_load %arg7[%get3A_337, %get3A_338] {strides = array<i32>} : memref<200x128xf32, #tpu.memory_space<vmem>>, vector<1x16xf32>,
        %get3A_340 = vector.shape_cast %get3A_339 : vector<1x16xf32> to vector<1x16xf32>
        %swap3A_341 = arith.index_cast %add3A_320 : i32 to index
        %swap3A_342 = arith.constant 32 : index
        %swap3A_343 = tpu.vector_load %arg9[%swap3A_341, %swap3A_342] {strides = array<i32>} : memref<200x64xf32, #tpu.memory_space<vmem>>, vector<1x16xf32>,
        %swap3A_344 = vector.shape_cast %swap3A_343 : vector<1x16xf32> to vector<1x16xf32>
        %swap3A_345 = vector.shape_cast %get3A_340 : vector<1x16xf32> to vector<1x16xf32>
        tpu.vector_store %arg9[%swap3A_341, %swap3A_342], %swap3A_345 {strides = array<i32>} : memref<200x64xf32, #tpu.memory_space<vmem>>, vector<1x16xf32>,
        %get3A_346 = arith.index_cast %add3A_320 : i32 to index
        %get3A_347 = arith.constant 48 : index
        %get3A_348 = tpu.vector_load %arg7[%get3A_346, %get3A_347] {strides = array<i32>} : memref<200x128xf32, #tpu.memory_space<vmem>>, vector<1x16xf32>,
        %get3A_349 = vector.shape_cast %get3A_348 : vector<1x16xf32> to vector<1x16xf32>
        %swap3A_350 = arith.index_cast %add3A_320 : i32 to index
        %swap3A_351 = arith.constant 48 : index
        %swap3A_352 = tpu.vector_load %arg9[%swap3A_350, %swap3A_351] {strides = array<i32>} : memref<200x64xf32, #tpu.memory_space<vmem>>, vector<1x16xf32>,
        %swap3A_353 = vector.shape_cast %swap3A_352 : vector<1x16xf32> to vector<1x16xf32>
        %swap3A_354 = vector.shape_cast %get3A_349 : vector<1x16xf32> to vector<1x16xf32>
        tpu.vector_store %arg9[%swap3A_350, %swap3A_351], %swap3A_354 {strides = array<i32>} : memref<200x64xf32, #tpu.memory_space<vmem>>, vector<1x16xf32>,
      }
      %scan3A_241 = arith.constant 200 : i32
      %lt3A_242 = arith.constant 15 : i32
      %lt3A_243 = arith.cmpi slt, %add3A_141, %lt3A_242 : i32
      %convert_element_type3A_244 = arith.extui %lt3A_243 : i1 to i32
      %cond3A_245 = arith.constant 0 : i32
      %cond3A_246 = arith.cmpi ne, %convert_element_type3A_244, %cond3A_245 : i32
      scf.if %cond3A_246 {
        %add3A_316 = arith.constant 3 : i32
        %add3A_317 = arith.addi %mul3A_143, %add3A_316 : i32
        %mul3A_318 = arith.constant 200 : i32
        %mul3A_319 = arith.muli %add3A_317, %mul3A_318 : i32
        %dma_start3A_320 = tpu.memref_slice %arg5[%mul3A_319] : memref<6400xi32, #tpu.memory_space<vmem>> -> memref<200xi32, #tpu.memory_space<vmem>>
        %dma_start3A_321 = arith.constant 0 : i32
        %dma_start3A_322 = arith.constant 0 : i32
        %dma_start3A_323 = tpu.memref_slice %arg2[%dma_start3A_321, %dma_start3A_322] : memref<100000x128xf32, #tpu.memory_space<hbm>> -> memref<100000x128xf32, #tpu.memory_space<hbm>>
        tpu.enqueue_indirect_dma source(%dma_start3A_323 : memref<100000x128xf32, #tpu.memory_space<hbm>>) target(%arg7 : memref<200x128xf32, #tpu.memory_space<vmem>>) offsets(%dma_start3A_320 : memref<200xi32, #tpu.memory_space<vmem>>) semaphore(%arg11 : memref<!tpu.dma_semaphore, #tpu.memory_space<semaphore_mem>>)
      } else {
      }
      %add3A_247 = arith.constant 1 : i32
      %add3A_248 = arith.addi %mul3A_143, %add3A_247 : i32
      %mul3A_249 = arith.constant 4 : i32
      %mul3A_250 = arith.muli %add3A_248, %mul3A_249 : i32
      %add3A_251 = arith.addi %mul3A_4, %mul3A_250 : i32
      %add3A_252 = arith.constant 0 : i32
      %add3A_253 = arith.addi %add3A_251, %add3A_252 : i32
      %dma_start3A_254 = arith.constant 0 : i32
      %dma_start3A_255 = arith.constant 0 : i32
      %dma_start3A_256 = tpu.memref_slice %arg9[%dma_start3A_254, %dma_start3A_255] : memref<200x64xf32, #tpu.memory_space<vmem>> -> memref<50x64xf32, #tpu.memory_space<vmem>>
      %dma_start3A_257 = arith.constant 0 : i32
      %dma_start3A_258 = arith.constant 0 : i32
      %dma_start3A_259 = tpu.memref_slice %arg4[%add3A_253, %dma_start3A_257, %dma_start3A_258] : memref<4096x50x64xf32, #tpu.memory_space<hbm>> -> memref<1x50x64xf32, #tpu.memory_space<hbm>>
      %dma_start3A_260 = tpu.memref_squeeze %dma_start3A_259 : memref<1x50x64xf32, #tpu.memory_space<hbm>> -> memref<50x64xf32, #tpu.memory_space<hbm>>
      %dma_start3A_261 = arith.constant 0 : i32
      %dma_start3A_262 = arith.constant 0 : i32
      %dma_start3A_263 = tpu.memref_slice %arg4[%add3A_253, %dma_start3A_261, %dma_start3A_262] : memref<4096x50x64xf32, #tpu.memory_space<hbm>> -> memref<1x50x64xf32, #tpu.memory_space<hbm>>
      %dma_start3A_264 = tpu.memref_squeeze %dma_start3A_263 : memref<1x50x64xf32, #tpu.memory_space<hbm>> -> memref<50x64xf32, #tpu.memory_space<hbm>>
      %dma_start3A_265 = arith.constant 0 : i32
      %dma_start3A_266 = arith.constant 0 : i32
      %dma_start3A_267 = tpu.memref_slice %arg9[%dma_start3A_265, %dma_start3A_266] : memref<200x64xf32, #tpu.memory_space<vmem>> -> memref<50x64xf32, #tpu.memory_space<vmem>>
      tpu.enqueue_dma source(%dma_start3A_267 : memref<50x64xf32, #tpu.memory_space<vmem>>) target(%dma_start3A_264 : memref<50x64xf32, #tpu.memory_space<hbm>>) target_semaphore(%arg13 : memref<!tpu.dma_semaphore, #tpu.memory_space<semaphore_mem>>)
      %add3A_268 = arith.constant 1 : i32
      %add3A_269 = arith.addi %add3A_251, %add3A_268 : i32
      %dma_start3A_270 = arith.constant 50 : i32
      %dma_start3A_271 = arith.constant 0 : i32
      %dma_start3A_272 = tpu.memref_slice %arg9[%dma_start3A_270, %dma_start3A_271] : memref<200x64xf32, #tpu.memory_space<vmem>> -> memref<50x64xf32, #tpu.memory_space<vmem>>
      %dma_start3A_273 = arith.constant 0 : i32
      %dma_start3A_274 = arith.constant 0 : i32
      %dma_start3A_275 = tpu.memref_slice %arg4[%add3A_269, %dma_start3A_273, %dma_start3A_274] : memref<4096x50x64xf32, #tpu.memory_space<hbm>> -> memref<1x50x64xf32, #tpu.memory_space<hbm>>
      %dma_start3A_276 = tpu.memref_squeeze %dma_start3A_275 : memref<1x50x64xf32, #tpu.memory_space<hbm>> -> memref<50x64xf32, #tpu.memory_space<hbm>>
      %dma_start3A_277 = arith.constant 0 : i32
      %dma_start3A_278 = arith.constant 0 : i32
      %dma_start3A_279 = tpu.memref_slice %arg4[%add3A_269, %dma_start3A_277, %dma_start3A_278] : memref<4096x50x64xf32, #tpu.memory_space<hbm>> -> memref<1x50x64xf32, #tpu.memory_space<hbm>>
      %dma_start3A_280 = tpu.memref_squeeze %dma_start3A_279 : memref<1x50x64xf32, #tpu.memory_space<hbm>> -> memref<50x64xf32, #tpu.memory_space<hbm>>
      %dma_start3A_281 = arith.constant 50 : i32
      %dma_start3A_282 = arith.constant 0 : i32
      %dma_start3A_283 = tpu.memref_slice %arg9[%dma_start3A_281, %dma_start3A_282] : memref<200x64xf32, #tpu.memory_space<vmem>> -> memref<50x64xf32, #tpu.memory_space<vmem>>
      tpu.enqueue_dma source(%dma_start3A_283 : memref<50x64xf32, #tpu.memory_space<vmem>>) target(%dma_start3A_280 : memref<50x64xf32, #tpu.memory_space<hbm>>) target_semaphore(%arg13 : memref<!tpu.dma_semaphore, #tpu.memory_space<semaphore_mem>>)
      %add3A_284 = arith.constant 2 : i32
      %add3A_285 = arith.addi %add3A_251, %add3A_284 : i32
      %dma_start3A_286 = arith.constant 100 : i32
      %dma_start3A_287 = arith.constant 0 : i32
      %dma_start3A_288 = tpu.memref_slice %arg9[%dma_start3A_286, %dma_start3A_287] : memref<200x64xf32, #tpu.memory_space<vmem>> -> memref<50x64xf32, #tpu.memory_space<vmem>>
      %dma_start3A_289 = arith.constant 0 : i32
      %dma_start3A_290 = arith.constant 0 : i32
      %dma_start3A_291 = tpu.memref_slice %arg4[%add3A_285, %dma_start3A_289, %dma_start3A_290] : memref<4096x50x64xf32, #tpu.memory_space<hbm>> -> memref<1x50x64xf32, #tpu.memory_space<hbm>>
      %dma_start3A_292 = tpu.memref_squeeze %dma_start3A_291 : memref<1x50x64xf32, #tpu.memory_space<hbm>> -> memref<50x64xf32, #tpu.memory_space<hbm>>
      %dma_start3A_293 = arith.constant 0 : i32
      %dma_start3A_294 = arith.constant 0 : i32
      %dma_start3A_295 = tpu.memref_slice %arg4[%add3A_285, %dma_start3A_293, %dma_start3A_294] : memref<4096x50x64xf32, #tpu.memory_space<hbm>> -> memref<1x50x64xf32, #tpu.memory_space<hbm>>
      %dma_start3A_296 = tpu.memref_squeeze %dma_start3A_295 : memref<1x50x64xf32, #tpu.memory_space<hbm>> -> memref<50x64xf32, #tpu.memory_space<hbm>>
      %dma_start3A_297 = arith.constant 100 : i32
      %dma_start3A_298 = arith.constant 0 : i32
      %dma_start3A_299 = tpu.memref_slice %arg9[%dma_start3A_297, %dma_start3A_298] : memref<200x64xf32, #tpu.memory_space<vmem>> -> memref<50x64xf32, #tpu.memory_space<vmem>>
      tpu.enqueue_dma source(%dma_start3A_299 : memref<50x64xf32, #tpu.memory_space<vmem>>) target(%dma_start3A_296 : memref<50x64xf32, #tpu.memory_space<hbm>>) target_semaphore(%arg13 : memref<!tpu.dma_semaphore, #tpu.memory_space<semaphore_mem>>)
      %add3A_300 = arith.constant 3 : i32
      %add3A_301 = arith.addi %add3A_251, %add3A_300 : i32
      %dma_start3A_302 = arith.constant 150 : i32
      %dma_start3A_303 = arith.constant 0 : i32
      %dma_start3A_304 = tpu.memref_slice %arg9[%dma_start3A_302, %dma_start3A_303] : memref<200x64xf32, #tpu.memory_space<vmem>> -> memref<50x64xf32, #tpu.memory_space<vmem>>
      %dma_start3A_305 = arith.constant 0 : i32
      %dma_start3A_306 = arith.constant 0 : i32
      %dma_start3A_307 = tpu.memref_slice %arg4[%add3A_301, %dma_start3A_305, %dma_start3A_306] : memref<4096x50x64xf32, #tpu.memory_space<hbm>> -> memref<1x50x64xf32, #tpu.memory_space<hbm>>
      %dma_start3A_308 = tpu.memref_squeeze %dma_start3A_307 : memref<1x50x64xf32, #tpu.memory_space<hbm>> -> memref<50x64xf32, #tpu.memory_space<hbm>>
      %dma_start3A_309 = arith.constant 0 : i32
      %dma_start3A_310 = arith.constant 0 : i32
      %dma_start3A_311 = tpu.memref_slice %arg4[%add3A_301, %dma_start3A_309, %dma_start3A_310] : memref<4096x50x64xf32, #tpu.memory_space<hbm>> -> memref<1x50x64xf32, #tpu.memory_space<hbm>>
      %dma_start3A_312 = tpu.memref_squeeze %dma_start3A_311 : memref<1x50x64xf32, #tpu.memory_space<hbm>> -> memref<50x64xf32, #tpu.memory_space<hbm>>
      %dma_start3A_313 = arith.constant 150 : i32
      %dma_start3A_314 = arith.constant 0 : i32
      %dma_start3A_315 = tpu.memref_slice %arg9[%dma_start3A_313, %dma_start3A_314] : memref<200x64xf32, #tpu.memory_space<vmem>> -> memref<50x64xf32, #tpu.memory_space<vmem>>
      tpu.enqueue_dma source(%dma_start3A_315 : memref<50x64xf32, #tpu.memory_space<vmem>>) target(%dma_start3A_312 : memref<50x64xf32, #tpu.memory_space<hbm>>) target_semaphore(%arg13 : memref<!tpu.dma_semaphore, #tpu.memory_space<semaphore_mem>>)
    }
    %scan3A_17 = arith.constant 16 : i32
    %dma_wait3A = arith.constant 0 : i32
    %dma_wait3A_18 = arith.constant 0 : i32
    %dma_wait3A_19 = arith.constant 0 : i32
    %dma_wait3A_20 = tpu.memref_slice %arg8[%dma_wait3A_18, %dma_wait3A_19] : memref<200x64xf32, #tpu.memory_space<vmem>> -> memref<50x64xf32, #tpu.memory_space<vmem>>
    %dma_wait3A_21 = arith.constant 0 : i32
    %dma_wait3A_22 = arith.constant 0 : i32
    %dma_wait3A_23 = tpu.memref_slice %arg4[%dma_wait3A, %dma_wait3A_21, %dma_wait3A_22] : memref<4096x50x64xf32, #tpu.memory_space<hbm>> -> memref<1x50x64xf32, #tpu.memory_space<hbm>>
    %dma_wait3A_24 = tpu.memref_squeeze %dma_wait3A_23 : memref<1x50x64xf32, #tpu.memory_space<hbm>> -> memref<50x64xf32, #tpu.memory_space<hbm>>
    %dma_wait3A_25 = arith.constant 0 : i32
    %dma_wait3A_26 = arith.constant 0 : i32
    %dma_wait3A_27 = tpu.memref_slice %arg4[%dma_wait3A, %dma_wait3A_25, %dma_wait3A_26] : memref<4096x50x64xf32, #tpu.memory_space<hbm>> -> memref<1x50x64xf32, #tpu.memory_space<hbm>>
    %dma_wait3A_28 = tpu.memref_squeeze %dma_wait3A_27 : memref<1x50x64xf32, #tpu.memory_space<hbm>> -> memref<50x64xf32, #tpu.memory_space<hbm>>
    %dma_wait3A_29 = arith.constant 0 : i32
    %dma_wait3A_30 = arith.constant 0 : i32
    %dma_wait3A_31 = tpu.memref_slice %arg8[%dma_wait3A_29, %dma_wait3A_30] : memref<200x64xf32, #tpu.memory_space<vmem>> -> memref<50x64xf32, #tpu.memory_space<vmem>>
    tpu.wait_dma2 semaphore(%arg12 : memref<!tpu.dma_semaphore, #tpu.memory_space<semaphore_mem>>) src(%dma_wait3A_31 : memref<50x64xf32, #tpu.memory_space<vmem>>) dst(%dma_wait3A_28 : memref<50x64xf32, #tpu.memory_space<hbm>>)
    %dma_wait3A_32 = arith.constant 0 : i32
    %dma_wait3A_33 = arith.constant 50 : i32
    %dma_wait3A_34 = arith.constant 0 : i32
    %dma_wait3A_35 = tpu.memref_slice %arg8[%dma_wait3A_33, %dma_wait3A_34] : memref<200x64xf32, #tpu.memory_space<vmem>> -> memref<50x64xf32, #tpu.memory_space<vmem>>
    %dma_wait3A_36 = arith.constant 0 : i32
    %dma_wait3A_37 = arith.constant 0 : i32
    %dma_wait3A_38 = tpu.memref_slice %arg4[%dma_wait3A_32, %dma_wait3A_36, %dma_wait3A_37] : memref<4096x50x64xf32, #tpu.memory_space<hbm>> -> memref<1x50x64xf32, #tpu.memory_space<hbm>>
    %dma_wait3A_39 = tpu.memref_squeeze %dma_wait3A_38 : memref<1x50x64xf32, #tpu.memory_space<hbm>> -> memref<50x64xf32, #tpu.memory_space<hbm>>
    %dma_wait3A_40 = arith.constant 0 : i32
    %dma_wait3A_41 = arith.constant 0 : i32
    %dma_wait3A_42 = tpu.memref_slice %arg4[%dma_wait3A_32, %dma_wait3A_40, %dma_wait3A_41] : memref<4096x50x64xf32, #tpu.memory_space<hbm>> -> memref<1x50x64xf32, #tpu.memory_space<hbm>>
    %dma_wait3A_43 = tpu.memref_squeeze %dma_wait3A_42 : memref<1x50x64xf32, #tpu.memory_space<hbm>> -> memref<50x64xf32, #tpu.memory_space<hbm>>
    %dma_wait3A_44 = arith.constant 50 : i32
    %dma_wait3A_45 = arith.constant 0 : i32
    %dma_wait3A_46 = tpu.memref_slice %arg8[%dma_wait3A_44, %dma_wait3A_45] : memref<200x64xf32, #tpu.memory_space<vmem>> -> memref<50x64xf32, #tpu.memory_space<vmem>>
    tpu.wait_dma2 semaphore(%arg12 : memref<!tpu.dma_semaphore, #tpu.memory_space<semaphore_mem>>) src(%dma_wait3A_46 : memref<50x64xf32, #tpu.memory_space<vmem>>) dst(%dma_wait3A_43 : memref<50x64xf32, #tpu.memory_space<hbm>>)
    %dma_wait3A_47 = arith.constant 0 : i32
    %dma_wait3A_48 = arith.constant 100 : i32
    %dma_wait3A_49 = arith.constant 0 : i32
    %dma_wait3A_50 = tpu.memref_slice %arg8[%dma_wait3A_48, %dma_wait3A_49] : memref<200x64xf32, #tpu.memory_space<vmem>> -> memref<50x64xf32, #tpu.memory_space<vmem>>
    %dma_wait3A_51 = arith.constant 0 : i32
    %dma_wait3A_52 = arith.constant 0 : i32
    %dma_wait3A_53 = tpu.memref_slice %arg4[%dma_wait3A_47, %dma_wait3A_51, %dma_wait3A_52] : memref<4096x50x64xf32, #tpu.memory_space<hbm>> -> memref<1x50x64xf32, #tpu.memory_space<hbm>>
    %dma_wait3A_54 = tpu.memref_squeeze %dma_wait3A_53 : memref<1x50x64xf32, #tpu.memory_space<hbm>> -> memref<50x64xf32, #tpu.memory_space<hbm>>
    %dma_wait3A_55 = arith.constant 0 : i32
    %dma_wait3A_56 = arith.constant 0 : i32
    %dma_wait3A_57 = tpu.memref_slice %arg4[%dma_wait3A_47, %dma_wait3A_55, %dma_wait3A_56] : memref<4096x50x64xf32, #tpu.memory_space<hbm>> -> memref<1x50x64xf32, #tpu.memory_space<hbm>>
    %dma_wait3A_58 = tpu.memref_squeeze %dma_wait3A_57 : memref<1x50x64xf32, #tpu.memory_space<hbm>> -> memref<50x64xf32, #tpu.memory_space<hbm>>
    %dma_wait3A_59 = arith.constant 100 : i32
    %dma_wait3A_60 = arith.constant 0 : i32
    %dma_wait3A_61 = tpu.memref_slice %arg8[%dma_wait3A_59, %dma_wait3A_60] : memref<200x64xf32, #tpu.memory_space<vmem>> -> memref<50x64xf32, #tpu.memory_space<vmem>>
    tpu.wait_dma2 semaphore(%arg12 : memref<!tpu.dma_semaphore, #tpu.memory_space<semaphore_mem>>) src(%dma_wait3A_61 : memref<50x64xf32, #tpu.memory_space<vmem>>) dst(%dma_wait3A_58 : memref<50x64xf32, #tpu.memory_space<hbm>>)
    %dma_wait3A_62 = arith.constant 0 : i32
    %dma_wait3A_63 = arith.constant 150 : i32
    %dma_wait3A_64 = arith.constant 0 : i32
    %dma_wait3A_65 = tpu.memref_slice %arg8[%dma_wait3A_63, %dma_wait3A_64] : memref<200x64xf32, #tpu.memory_space<vmem>> -> memref<50x64xf32, #tpu.memory_space<vmem>>
    %dma_wait3A_66 = arith.constant 0 : i32
    %dma_wait3A_67 = arith.constant 0 : i32
    %dma_wait3A_68 = tpu.memref_slice %arg4[%dma_wait3A_62, %dma_wait3A_66, %dma_wait3A_67] : memref<4096x50x64xf32, #tpu.memory_space<hbm>> -> memref<1x50x64xf32, #tpu.memory_space<hbm>>
    %dma_wait3A_69 = tpu.memref_squeeze %dma_wait3A_68 : memref<1x50x64xf32, #tpu.memory_space<hbm>> -> memref<50x64xf32, #tpu.memory_space<hbm>>
    %dma_wait3A_70 = arith.constant 0 : i32
    %dma_wait3A_71 = arith.constant 0 : i32
    %dma_wait3A_72 = tpu.memref_slice %arg4[%dma_wait3A_62, %dma_wait3A_70, %dma_wait3A_71] : memref<4096x50x64xf32, #tpu.memory_space<hbm>> -> memref<1x50x64xf32, #tpu.memory_space<hbm>>
    %dma_wait3A_73 = tpu.memref_squeeze %dma_wait3A_72 : memref<1x50x64xf32, #tpu.memory_space<hbm>> -> memref<50x64xf32, #tpu.memory_space<hbm>>
    %dma_wait3A_74 = arith.constant 150 : i32
    %dma_wait3A_75 = arith.constant 0 : i32
    %dma_wait3A_76 = tpu.memref_slice %arg8[%dma_wait3A_74, %dma_wait3A_75] : memref<200x64xf32, #tpu.memory_space<vmem>> -> memref<50x64xf32, #tpu.memory_space<vmem>>
    tpu.wait_dma2 semaphore(%arg12 : memref<!tpu.dma_semaphore, #tpu.memory_space<semaphore_mem>>) src(%dma_wait3A_76 : memref<50x64xf32, #tpu.memory_space<vmem>>) dst(%dma_wait3A_73 : memref<50x64xf32, #tpu.memory_space<hbm>>)
    %dma_wait3A_77 = arith.constant 0 : i32
    %dma_wait3A_78 = arith.constant 0 : i32
    %dma_wait3A_79 = arith.constant 0 : i32
    %dma_wait3A_80 = tpu.memref_slice %arg9[%dma_wait3A_78, %dma_wait3A_79] : memref<200x64xf32, #tpu.memory_space<vmem>> -> memref<50x64xf32, #tpu.memory_space<vmem>>
    %dma_wait3A_81 = arith.constant 0 : i32
    %dma_wait3A_82 = arith.constant 0 : i32
    %dma_wait3A_83 = tpu.memref_slice %arg4[%dma_wait3A_77, %dma_wait3A_81, %dma_wait3A_82] : memref<4096x50x64xf32, #tpu.memory_space<hbm>> -> memref<1x50x64xf32, #tpu.memory_space<hbm>>
    %dma_wait3A_84 = tpu.memref_squeeze %dma_wait3A_83 : memref<1x50x64xf32, #tpu.memory_space<hbm>> -> memref<50x64xf32, #tpu.memory_space<hbm>>
    %dma_wait3A_85 = arith.constant 0 : i32
    %dma_wait3A_86 = arith.constant 0 : i32
    %dma_wait3A_87 = tpu.memref_slice %arg4[%dma_wait3A_77, %dma_wait3A_85, %dma_wait3A_86] : memref<4096x50x64xf32, #tpu.memory_space<hbm>> -> memref<1x50x64xf32, #tpu.memory_space<hbm>>
    %dma_wait3A_88 = tpu.memref_squeeze %dma_wait3A_87 : memref<1x50x64xf32, #tpu.memory_space<hbm>> -> memref<50x64xf32, #tpu.memory_space<hbm>>
    %dma_wait3A_89 = arith.constant 0 : i32
    %dma_wait3A_90 = arith.constant 0 : i32
    %dma_wait3A_91 = tpu.memref_slice %arg9[%dma_wait3A_89, %dma_wait3A_90] : memref<200x64xf32, #tpu.memory_space<vmem>> -> memref<50x64xf32, #tpu.memory_space<vmem>>
    tpu.wait_dma2 semaphore(%arg13 : memref<!tpu.dma_semaphore, #tpu.memory_space<semaphore_mem>>) src(%dma_wait3A_91 : memref<50x64xf32, #tpu.memory_space<vmem>>) dst(%dma_wait3A_88 : memref<50x64xf32, #tpu.memory_space<hbm>>)
    %dma_wait3A_92 = arith.constant 0 : i32
    %dma_wait3A_93 = arith.constant 50 : i32
    %dma_wait3A_94 = arith.constant 0 : i32
    %dma_wait3A_95 = tpu.memref_slice %arg9[%dma_wait3A_93, %dma_wait3A_94] : memref<200x64xf32, #tpu.memory_space<vmem>> -> memref<50x64xf32, #tpu.memory_space<vmem>>
    %dma_wait3A_96 = arith.constant 0 : i32
    %dma_wait3A_97 = arith.constant 0 : i32
    %dma_wait3A_98 = tpu.memref_slice %arg4[%dma_wait3A_92, %dma_wait3A_96, %dma_wait3A_97] : memref<4096x50x64xf32, #tpu.memory_space<hbm>> -> memref<1x50x64xf32, #tpu.memory_space<hbm>>
    %dma_wait3A_99 = tpu.memref_squeeze %dma_wait3A_98 : memref<1x50x64xf32, #tpu.memory_space<hbm>> -> memref<50x64xf32, #tpu.memory_space<hbm>>
    %dma_wait3A_100 = arith.constant 0 : i32
    %dma_wait3A_101 = arith.constant 0 : i32
    %dma_wait3A_102 = tpu.memref_slice %arg4[%dma_wait3A_92, %dma_wait3A_100, %dma_wait3A_101] : memref<4096x50x64xf32, #tpu.memory_space<hbm>> -> memref<1x50x64xf32, #tpu.memory_space<hbm>>
    %dma_wait3A_103 = tpu.memref_squeeze %dma_wait3A_102 : memref<1x50x64xf32, #tpu.memory_space<hbm>> -> memref<50x64xf32, #tpu.memory_space<hbm>>
    %dma_wait3A_104 = arith.constant 50 : i32
    %dma_wait3A_105 = arith.constant 0 : i32
    %dma_wait3A_106 = tpu.memref_slice %arg9[%dma_wait3A_104, %dma_wait3A_105] : memref<200x64xf32, #tpu.memory_space<vmem>> -> memref<50x64xf32, #tpu.memory_space<vmem>>
    tpu.wait_dma2 semaphore(%arg13 : memref<!tpu.dma_semaphore, #tpu.memory_space<semaphore_mem>>) src(%dma_wait3A_106 : memref<50x64xf32, #tpu.memory_space<vmem>>) dst(%dma_wait3A_103 : memref<50x64xf32, #tpu.memory_space<hbm>>)
    %dma_wait3A_107 = arith.constant 0 : i32
    %dma_wait3A_108 = arith.constant 100 : i32
    %dma_wait3A_109 = arith.constant 0 : i32
    %dma_wait3A_110 = tpu.memref_slice %arg9[%dma_wait3A_108, %dma_wait3A_109] : memref<200x64xf32, #tpu.memory_space<vmem>> -> memref<50x64xf32, #tpu.memory_space<vmem>>
    %dma_wait3A_111 = arith.constant 0 : i32
    %dma_wait3A_112 = arith.constant 0 : i32
    %dma_wait3A_113 = tpu.memref_slice %arg4[%dma_wait3A_107, %dma_wait3A_111, %dma_wait3A_112] : memref<4096x50x64xf32, #tpu.memory_space<hbm>> -> memref<1x50x64xf32, #tpu.memory_space<hbm>>
    %dma_wait3A_114 = tpu.memref_squeeze %dma_wait3A_113 : memref<1x50x64xf32, #tpu.memory_space<hbm>> -> memref<50x64xf32, #tpu.memory_space<hbm>>
    %dma_wait3A_115 = arith.constant 0 : i32
    %dma_wait3A_116 = arith.constant 0 : i32
    %dma_wait3A_117 = tpu.memref_slice %arg4[%dma_wait3A_107, %dma_wait3A_115, %dma_wait3A_116] : memref<4096x50x64xf32, #tpu.memory_space<hbm>> -> memref<1x50x64xf32, #tpu.memory_space<hbm>>
    %dma_wait3A_118 = tpu.memref_squeeze %dma_wait3A_117 : memref<1x50x64xf32, #tpu.memory_space<hbm>> -> memref<50x64xf32, #tpu.memory_space<hbm>>
    %dma_wait3A_119 = arith.constant 100 : i32
    %dma_wait3A_120 = arith.constant 0 : i32
    %dma_wait3A_121 = tpu.memref_slice %arg9[%dma_wait3A_119, %dma_wait3A_120] : memref<200x64xf32, #tpu.memory_space<vmem>> -> memref<50x64xf32, #tpu.memory_space<vmem>>
    tpu.wait_dma2 semaphore(%arg13 : memref<!tpu.dma_semaphore, #tpu.memory_space<semaphore_mem>>) src(%dma_wait3A_121 : memref<50x64xf32, #tpu.memory_space<vmem>>) dst(%dma_wait3A_118 : memref<50x64xf32, #tpu.memory_space<hbm>>)
    %dma_wait3A_122 = arith.constant 0 : i32
    %dma_wait3A_123 = arith.constant 150 : i32
    %dma_wait3A_124 = arith.constant 0 : i32
    %dma_wait3A_125 = tpu.memref_slice %arg9[%dma_wait3A_123, %dma_wait3A_124] : memref<200x64xf32, #tpu.memory_space<vmem>> -> memref<50x64xf32, #tpu.memory_space<vmem>>
    %dma_wait3A_126 = arith.constant 0 : i32
    %dma_wait3A_127 = arith.constant 0 : i32
    %dma_wait3A_128 = tpu.memref_slice %arg4[%dma_wait3A_122, %dma_wait3A_126, %dma_wait3A_127] : memref<4096x50x64xf32, #tpu.memory_space<hbm>> -> memref<1x50x64xf32, #tpu.memory_space<hbm>>
    %dma_wait3A_129 = tpu.memref_squeeze %dma_wait3A_128 : memref<1x50x64xf32, #tpu.memory_space<hbm>> -> memref<50x64xf32, #tpu.memory_space<hbm>>
    %dma_wait3A_130 = arith.constant 0 : i32
    %dma_wait3A_131 = arith.constant 0 : i32
    %dma_wait3A_132 = tpu.memref_slice %arg4[%dma_wait3A_122, %dma_wait3A_130, %dma_wait3A_131] : memref<4096x50x64xf32, #tpu.memory_space<hbm>> -> memref<1x50x64xf32, #tpu.memory_space<hbm>>
    %dma_wait3A_133 = tpu.memref_squeeze %dma_wait3A_132 : memref<1x50x64xf32, #tpu.memory_space<hbm>> -> memref<50x64xf32, #tpu.memory_space<hbm>>
    %dma_wait3A_134 = arith.constant 150 : i32
    %dma_wait3A_135 = arith.constant 0 : i32
    %dma_wait3A_136 = tpu.memref_slice %arg9[%dma_wait3A_134, %dma_wait3A_135] : memref<200x64xf32, #tpu.memory_space<vmem>> -> memref<50x64xf32, #tpu.memory_space<vmem>>
    tpu.wait_dma2 semaphore(%arg13 : memref<!tpu.dma_semaphore, #tpu.memory_space<semaphore_mem>>) src(%dma_wait3A_136 : memref<50x64xf32, #tpu.memory_space<vmem>>) dst(%dma_wait3A_133 : memref<50x64xf32, #tpu.memory_space<hbm>>)
    return
  }
}

</mosaic_0001>

<sc_bundles>
// kernel: kernel.3.cloned.1.call-start
scs
__scs_entry_jumppad:
0x0: {  	(pc) =	sbr.rel $0x88, $3  }
0x1: {  	(tag) =	ssettag $0x0;
	lr =	simm.s32 $0x1  }
0x2: {  	[smem:$0x3F9F] =	sst lr;
	_ =	strace $0xD0000000  }
0x3: {  	_ = 	snop  }
0x4: {  	_ = 	snop  }
0x5: {  	_ = 	snop  }
0x6: {  	_ = 	snop  }
0x7: {  	_ = 	snop  }
__scs_overlays_trampoline_lowered:
0x8: {  	[smem:$0x3FAE] =	sst s0  }
0x9: {  	[smem:$0x3FAF] =	sst s1  }
0xa: {  	[smem:$0x3FB0] =	sst s2  }
0xb: {  	[smem:$0x3FB1] =	sst s3  }
0xc: {  	[smem:$0x3FB2] =	sst s4  }
0xd: {  	[smem:$0x3FB3] =	sst s5  }
0xe: {  	[smem:$0x3FB4] =	sst s6  }
0xf: {  	[smem:$0x3FB5] =	sst s7  }
0x10: {  	[smem:$0x3FB6] =	sst s8  }
0x11: {  	[smem:$0x3FB7] =	sst s9;
	s0 =	simm.s32 @!p0 $0x0  }
0x12: {  	s1 =	sld [smem:$0x3F9D];
	s0 =	simm.s32 @p0 $0x1  }
0x13: {  	[smem:$0x3FB8] =	sst s0;
	s0 =	simm.s32 @!p1 $0x0  }
0x14: {  	s2 =	sld [smem:$0x3F9C];
	s0 =	simm.s32 @p1 $0x1  }
0x15: {  	[smem:$0x3FB9] =	sst s0;
	s0 =	simm.s32 @!p2 $0x0  }
0x16: {  	s3 =	sld [smem:$0x3FDB];
	s0 =	simm.s32 @p2 $0x1  }
0x17: {  	s4 =	simm.s32 $0x1BF5;
	[smem:$0x3FBB] =	sst s0  }
0x18: {  	s0 =	sld [smem:$0x3F9E];
	_ =	swait.ge [sflag:s4], $0x0  }
0x19: {  	s7 =	sld [smem:$0x3F9F]  }
0x1a: {  	s8 =	sadd.s32 $0xFFFFE003, lr  }
0x1b: {  	s9 =	sadd.s32 $0xFFFFFEF7, lr;
	s5 =	simm.s32 $0xFFFFFFFF;
	p2 =	slt.u32 s8, $0xFFFFF086  }
0x1c: {  	p1 =	slt.u32 s9, $0xF7A;
	s5 =	simm.s32 @!p2 $0x0  }
0x1d: {  	s5 =	simm.s32 @p1 $0x1;
	p0 =	seq.s32 s7, s2  }
0x1e: {  	s7 =	smul.u32 @!p0 $0xF7A, s2;
	p2 =	seq.s32 @!p0 s5, $0x0  }
0x1f: {  	s9 =	smul.u32 $0xF7A, s1;
	s8 =	simm.s32 @!p0 $0x1BF5;
	p2 =	por !p2, p0  }
0x20: {  	[sflag:s8] =	ssyncset.s32 @!p0 $0xFFFFF086;
	s6 =	sadd.s32 @!p0 s3, s7;
	s7 =	simm.s32 @!p0 $0x108  }
0x21: {  	s3 =	sadd.s32 s3, s9;
	s6 =	sadd.s32 @!p0 $0x88, s6;
	s7 =	simm.s32 @p2 $0x1082  }
0x22: {  	[simem:s7], [sflag:s8] =	dma.local @!p0 [hbm:s6], $0xF7A  }
0x23: {  	s9 =	sor.u32 $0xD0000000, s2;
	s6 =	simm.s32 $0x108;
	_ =	swait.ge @!p0 [sflag:s8], $0x0  }
0x24: {  	s3 =	sadd.s32 $0x88, s3;
	s6 =	simm.s32 @!p1 $0x1082;
	[sflag:s4] =	ssyncset.s32 $0xFFFFF086  }
0x25: {  	[simem:s6], [sflag:s4] =	dma.local [hbm:s3], $0xF7A  }
0x26: {  	[smem:$0x3F9F] =	sst s1;
	(tag) =	ssettag s2;
	_ =	strace s9  }
0x27: {  	s1 =	sld [smem:$0x3FAF]  }
0x28: {  	s2 =	sld [smem:$0x3FB0]  }
0x29: {  	s4 =	sld [smem:$0x3FB2]  }
0x2a: {  	p0 =	seq.s32 s5, $0x0;
	s5 =	sld [smem:$0x3FB3]  }
0x2b: {  	s6 =	sld [smem:$0x3FB4]  }
0x2c: {  	s7 =	sld [smem:$0x3FB5]  }
0x2d: {  	s3 =	simm.s32 $0x108;
	s8 =	sld [smem:$0x3FB6]  }
0x2e: {  	s3 =	simm.s32 @!p0 $0x1082;
	s9 =	sld [smem:$0x3FB7]  }
0x2f: {  	lr =	sadd.s32 s0, s3;
	s0 =	sld [smem:$0x3FAE]  }
0x30: {  	s3 =	sld [smem:$0x3FB1]  }
0x31: {  	[smem:$0x3FBA] =	sst s10  }
0x32: {  	s10 =	sld [smem:$0x3FB8];
	_ =	sdelay $0x3  }
0x33: {  	p0 =	seq.s32 s10, $0x1;
	s10 =	sld [smem:$0x3FBA];
	_ =	sdelay $0x3  }
0x34: {  	[smem:$0x3FBA] =	sst s10  }
0x35: {  	s10 =	sld [smem:$0x3FB9];
	_ =	sdelay $0x3  }
0x36: {  	p1 =	seq.s32 s10, $0x1;
	s10 =	sld [smem:$0x3FBA];
	_ =	sdelay $0x3  }
0x37: {  	[smem:$0x3FBA] =	sst s10  }
0x38: {  	s10 =	sld [smem:$0x3FBB]  }
0x39: {  	_ = 	snop;
	(pc) =	sbr.ind lr, $3  }
0x3a: {  	_ = 	snop  }
0x3b: {  	_ = 	snop  }
0x3c: {  	p2 =	seq.s32 s10, $0x1;
	s10 =	sld [smem:$0x3FBA]  }
0x3d: {  	_ =	shalt  }
0x3e: {  	_ =	shalt  }
0x3f: {  	_ =	shalt  }
0x40: {  	_ =	shalt  }
0x41: {  	_ =	shalt  }
0x42: {  	_ =	shalt  }
0x43: {  	_ =	shalt  }
0x44: {  	_ =	shalt  }
0x45: {  	_ =	shalt  }
0x46: {  	_ =	shalt  }
0x47: {  	_ =	shalt  }
0x48: {  	_ =	shalt  }
0x49: {  	_ =	shalt  }
0x4a: {  	_ =	shalt  }
0x4b: {  	_ =	shalt  }
0x4c: {  	_ =	shalt  }
0x4d: {  	_ =	shalt  }
0x4e: {  	_ =	shalt  }
0x4f: {  	_ =	shalt  }
0x50: {  	_ =	shalt  }
0x51: {  	_ =	shalt  }
0x52: {  	_ =	shalt  }
0x53: {  	_ =	shalt  }
0x54: {  	_ =	shalt  }
0x55: {  	_ =	shalt  }
0x56: {  	_ =	shalt  }
0x57: {  	_ =	shalt  }
0x58: {  	_ =	shalt  }
0x59: {  	_ =	shalt  }
0x5a: {  	_ =	shalt  }
0x5b: {  	_ =	shalt  }
0x5c: {  	_ =	shalt  }
0x5d: {  	_ =	shalt  }
0x5e: {  	_ =	shalt  }
0x5f: {  	_ =	shalt  }
0x60: {  	_ =	shalt  }
0x61: {  	_ =	shalt  }
0x62: {  	_ =	shalt  }
0x63: {  	_ =	shalt  }
0x64: {  	_ =	shalt  }
0x65: {  	_ =	shalt  }
0x66: {  	_ =	shalt  }
0x67: {  	_ =	shalt  }
0x68: {  	_ =	shalt  }
0x69: {  	_ =	shalt  }
0x6a: {  	_ =	shalt  }
0x6b: {  	_ =	shalt  }
0x6c: {  	_ =	shalt  }
0x6d: {  	_ =	shalt  }
0x6e: {  	_ =	shalt  }
0x6f: {  	_ =	shalt  }
0x70: {  	_ =	shalt  }
0x71: {  	_ =	shalt  }
0x72: {  	_ =	shalt  }
0x73: {  	_ =	shalt  }
0x74: {  	_ =	shalt  }
0x75: {  	_ =	shalt  }
0x76: {  	_ =	shalt  }
0x77: {  	_ =	shalt  }
0x78: {  	_ =	shalt  }
0x79: {  	_ =	shalt  }
0x7a: {  	_ =	shalt  }
0x7b: {  	_ =	shalt  }
0x7c: {  	_ =	shalt  }
0x7d: {  	_ =	shalt  }
0x7e: {  	_ =	shalt  }
0x7f: {  	_ =	shalt  }
0x80: {  	_ =	shalt  }
0x81: {  	_ =	shalt  }
0x82: {  	_ =	shalt  }
0x83: {  	_ =	shalt  }
0x84: {  	_ =	shalt  }
0x85: {  	_ =	shalt  }
0x86: {  	_ =	shalt  }
0x87: {  	_ =	shalt  }
.Lfunc_end0:
.L_simem_size_0:
called_computation_lowered:
.L_overlay_start_0:
0x88: {  	s2 =	sld [smem:$0x3FD9]  }
0x89: {  	s3 =	sld [smem:$0x3FFE];
	_ =	sdelay $0x1  }
0x8a: {  	s1 =	srdreg.scid  }
0x8b: {  	s0 =	sand.u32 $0x1, s1  }
0x8c: {  	s16 =	sshll.u32 s0, $0xA;
	s2 =	sadd.s32 s3, s2  }
0x8d: {  	s2 =	sadd.s32 s2, s16  }
0x8e: {  	[smem:$0x3FC6] =	sst s2  }
0x8f: {  	_ = 	snop  }
0x90: {  	(tm) =	ssettm $0x1  }
0x91: {  	s17 =	sld [smem:$0x3FFB];
	_ =	sdelay $0x3  }
0x92: {  	_ =	strace s17  }
0x93: {  	s2 =	sld [smem:$0x3FFC];
	_ =	sdelay $0x3  }
0x94: {  	_ =	strace s2  }
0x95: {  	s2 =	sld [smem:$0x3FFD];
	_ =	sdelay $0x3  }
0x96: {  	_ =	strace s2  }
0x97: {  	_ =	strace $0x8FFFFFFF  }
0x98: {  	s18 =	sld [smem:$0x3FDB];
	_ =	sdelay $0x1  }
0x99: {  	s19 =	simm.s32 $_scs_section_size  }
0x9a: {  	s4 =	simm.s32 $_size__tile_overlayer_lowered;
	s5 =	simm.s32 $_tile_overlayer_lowered  }
0x9b: {  	s22 =	simm.s32 $0x1BFF;
	s21 =	sshll.u32 s5, $0x1;
	s2 =	sadd.s32 s19, s18  }
0x9c: {  	s6 =	simm.s32 $0x0;
	s20 =	sshll.u32 s4, $0x1;
	s4 =	sadd.s32 s21, s2  }
0x9d: {  	[timem:s6], [sflag:s22] =	dma.local [hbm:s4], s20  }
0x9e: {  	_ =	swait.ge [sflag:s22], s20  }
0x9f: {  	s3 =	ssub.s32 $0x0, s20;
	[sflag:s22] =	ssyncset.done $0x0  }
0xa0: {  	[sflag:s22] =	ssyncadd.s32 s3;
	_ =	sdelay $0x1  }
0xa1: {  	s23 =	simm.s32 $0x1B8B  }
0xa2: {  	_ =	swait.ge [sflag:s23], $0x1  }
0xa3: {  	[sflag:s23] =	ssyncset.done $0x0  }
0xa4: {  	s25 =	simm.s32 $0x1B8E;
	s24 =	sld [smem:$0x3FFE];
	[sflag:s23] =	ssyncadd.s32 $0xFFFFFFFF  }
0xa5: {  	s26 =	simm.s32 $execute0_lowered;
	[smem:$0x3FD2] =	sst s25  }
0xa6: {  	s4 =	sshll.u32 s26, $0x1;
	_ =	strace $0x80000046;
	[dreg:$0x1] =	wrdreg $0xFFFFFFFF  }
0xa7: {  	s28 =	simm.s32 $_size_execute0_lowered;
	s2 =	sadd.s32 s2, s4;
	[dreg:$0x0] =	wrdreg $0x0  }
0xa8: {  	s4 =	sshll.u32 s28, $0x1;
	[dreg:$0x2] =	wrdreg s2  }
0xa9: {  	[dreg:$0x3] =	wrdreg s4  }
0xaa: {  	[dreg:$0x4] =	wrdreg $0xC0  }
0xab: {  	_ =	task [dreg:s6], $0x5FFFF  }
0xac: {  	[dreg:$0x1] =	wrdreg $0xFFFFFFFF  }
0xad: {  	[dreg:$0x0] =	wrdreg $0x60  }
0xae: {  	[dreg:$0x2] =	wrdreg s24  }
0xaf: {  	[dreg:$0x3] =	wrdreg $0x9  }
0xb0: {  	_ =	task.clear_ibuf [dreg:s6], $0x4FFFF;
	_ =	strace $0x90000046  }
0xb1: {  	s29 =	simm.s32 $0x9;
	_ =	strace $0x80000048  }
0xb2: {  	_ =	swait.ge [sflag:s29], $0x1  }
0xb3: {  	[sflag:s29] =	ssyncadd.s32 $0xFFFFFFFF  }
0xb4: {  	_ =	strace $0x90000048  }
0xb5: {  	_ =	sfence  }
0xb6: {  	s30 =	sld [smem:$0x0];
	_ =	sdelay $0x2  }
0xb7: {  	s31 =	sshll.u32 s1, $0xD;
	s1 =	sshrl.u32 s1, $0x2  }
0xb8: {  	s3 =	sand.u32 $0x4000, s31;
	s1 =	sadd.s32 s1, s30  }
0xb9: {  	s0 =	sor.u32 s3, s0;
	s1 =	sshll.u32 s1, $0x11  }
0xba: {  	s0 =	sor.u32 s1, s0  }
0xbb: {  	s0 =	sadd.s32 $0x8F2B, s0  }
0xbc: {  	[sflag:s0] =	ssyncadd.remote.s32 $0x1  }
0xbd: {  	_ =	sfence.sel $0xFFFF  }
0xbe: {  	[dreg:$0x0] =	wrdreg $0xFFFFFFFF;
	(pc) =	sbr.abs _section_cstart, $3  }
0xbf: {  	[dreg:$0x1] =	wrdreg $0xFFFFFFFF  }
0xc0: {  	_ =	task.clear_ibuf [dreg:s6], $0x2FFFF;
	_ =	strace $0x9FFFFFFF  }
0xc1: {  	(tm) =	ssettm $0x7FFFFFFF  }
tec
execute0_lowered:
.L_overlay_start_1:
0x0: {  	(tag) =	ssettag $0x1  }
0x1: {  	s1 =	srdreg.scid  }
0x2: {  	s0 =	stileid.u32;
	s7 =	rddreg [dreg:$0x0];
	s2 =	simm.s32 $0x0  }
0x3: {  	s10 =	simm.s32 $0xC8;
	s11 =	simm.s32 $0x1900;
	s12 =	simm.s32 $0x7D00  }
0x4: {  	s13 =	simm.s32 $0x1;
	s14 =	simm.s32 $0xE100;
	s15 =	simm.s32 $0xFA00  }
0x5: {  	s16 =	simm.s32 $0x11300;
	s17 =	simm.s32 $0x12C00;
	s18 =	simm.s32 $0x2  }
0x6: {  	s19 =	simm.s32 $0x14500;
	s20 =	simm.s32 $0x15E00;
	s21 =	simm.s32 $0x17700  }
0x7: {  	s22 =	simm.s32 $0x19000;
	s23 =	simm.s32 $0x3;
	s24 =	simm.s32 $0x4  }
0x8: {  	s25 =	simm.s32 $0x0;
	s3 =	sand.u32 $0x1, s1;
	s4 =	sshll.u32 s0, $0x1  }
0x9: {  	[smem:$0x7FF] =	sst s2;
	s5 =	sor.u32 s3, s4;
	s6 =	ssub.s32 $0x2, s3  }
0xa: {  	_ =	strace $0x80000047;
	s4 =	smul.u32 $0x320, s5;
	s8 =	sshrl.u32 s6, $0x1  }
0xb: {  	s3 =	sadd.s32 $0x6800, s7;
	s5 =	sshll.u32 s5, $0x7;
	s8 =	ssub.s32 s6, s8  }
0xc: {  	s9 =	sadd.s32 s4, s7;
	s4 =	sadd.s32 $0x18D200, s7;
	s7 =	sadd.s32 $0x18D580, s7  }
0xd: {  	s8 =	smax.u32 s8, $0x1;
	s6 =	sadd.s32 $0x400, s9;
	s9 =	simm.s32 $0x5  }
.LBB2_1:
0xe: {  	[tilespmem:s2], [sflag:$0x5] =	stream.linear.gather [hbm4b:s6+s2], $0x1900, $0x38;
	[tilespmem:$0x1A900] =	vst v63  }
0xf: {  	_ =	swait.ge [sflag:s9], $0x1900  }
0x10: {  	[sflag:s9] =	ssyncset.done $0x0  }
0x11: {  	[sflag:s9] =	ssyncadd.s32 $0xFFFFE700  }
0x12: {  	[tilespmem:s11], [sflag:$0x1] =	stream.indirect.gather [hbm4b:s3+s10], $0x80, s2, s10, $0xb8;
	[tilespmem:$0x1A900] =	vst v63  }
0x13: {  	s26 =	simm.s32 $0x0  }
0x14: {  	[tilespmem:s12], [sflag:$0x2] =	stream.indirect.gather [hbm4b:s3+s10], $0x80, s10, s10, $0xb8;
	[tilespmem:$0x1A900] =	vst v63  }
.LBB2_2:
0x15: {  	_ =	swait.ge [sflag:s13], $0x6400  }
0x16: {  	p0 =	seq.s32 s26, $0x0;
	[sflag:s13] =	ssyncset.done $0x0  }
0x17: {  	s28 =	simm.s32 @!p0 $0x3;
	[sflag:s13] =	ssyncadd.s32 $0xFFFF9C00  }
0x18: {  	_ =	swait.ge @!p0 [sflag:s28], $0x1900  }
0x19: {  	[sflag:s28] =	ssyncset.done @!p0 $0x0  }
0x1a: {  	[sflag:s28] =	ssyncadd.s32 @!p0 $0xFFFFE700  }
0x1b: {  	_ =	swait.ge @!p0 [sflag:s28], $0x1900  }
0x1c: {  	[sflag:s28] =	ssyncset.done @!p0 $0x0  }
0x1d: {  	[sflag:s28] =	ssyncadd.s32 @!p0 $0xFFFFE700  }
0x1e: {  	_ =	swait.ge @!p0 [sflag:s28], $0x1900  }
0x1f: {  	[sflag:s28] =	ssyncset.done @!p0 $0x0  }
0x20: {  	[sflag:s28] =	ssyncadd.s32 @!p0 $0xFFFFE700  }
0x21: {  	_ =	swait.ge @!p0 [sflag:s28], $0x1900  }
0x22: {  	[sflag:s28] =	ssyncset.done @!p0 $0x0  }
0x23: {  	s30 =	simm.s32 $0x0;
	[sflag:s28] =	ssyncadd.s32 @!p0 $0xFFFFE700  }
0x24: {  	v1 =	vld [tilespmem:s30+$0x1930]  }
0x25: {  	v2 =	vld [tilespmem:s30+$0x1900]  }
0x26: {  	v0 =	vld [tilespmem:s30+$0x1910]  }
0x27: {  	s29 =	sshll.u32 s26, $0x3;
	s28 =	simm.s32 $0x200;
	v3 =	vld [tilespmem:s30+$0x1920]  }
.LBB2_3:
0x28: {  	p1 =	sne.s32 s28, $0x18E00  }
.Ltmp0:
0x29: {  	s31 =	sshra.s32 s28, $0x2;
	s28 =	sadd.s32 $0x200, s28;
	[tilespmem:s30+$0xE130] =	vst v1;
	(pc) =	sbr.rel @p1 .LBB2_3-.Ltmp0, $4  }
0x2a: {  	v1 =	vld [tilespmem:s31+$0x1930];
	[tilespmem:s30+$0xE100] =	vst v2  }
0x2b: {  	v2 =	vld [tilespmem:s31+$0x1900];
	[tilespmem:s30+$0xE110] =	vst v0  }
0x2c: {  	v0 =	vld [tilespmem:s31+$0x1910];
	[tilespmem:s30+$0xE120] =	vst v3;
	s30 =	smov.u32 s31  }
0x2d: {  	v3 =	vld [tilespmem:s30+$0x1920]  }
0x2e: {  	p1 =	seq.s32 s26, $0xF  }
0x2f: {  	s28 =	smul.u32 @!p1 $0x640, s26;
	[tilespmem:s30+$0xE130] =	vst v1  }
0x30: {  	[tilespmem:s30+$0xE100] =	vst v2  }
0x31: {  	s29 =	sor.u32 s5, s29;
	s1 =	simm.s32 @!p1 $0x1900;
	s28 =	sshra.s32 @!p1 s28, $0x2;
	[tilespmem:s30+$0xE110] =	vst v0  }
0x32: {  	s0 =	smul.u32 $0x380, s29;
	s31 =	sadd.s32 @!p1 $0x190, s28;
	[tilespmem:s30+$0xE120] =	vst v3;
	s30 =	simm.s32 @!p1 $0xC8  }
0x33: {  	[tilespmem:s1], [sflag:$0x1] =	stream.indirect.gather @!p1 [hbm4b:s3+s30], $0x80, s31, s30, $0xb8;
	[tilespmem:$0x1A900] =	vst v63  }
0x34: {  	s1 =	sadd.s32 s4, s0  }
0x35: {  	[hbm4b:s1+s2] =	stream.linear.scatter [tilespmem:s14], [sflag:$0x3], $0x1900, $0x38;
	[tilespmem:$0x1A900] =	vst v63  }
0x36: {  	s0 =	sadd.s32 s0, s7;
	s1 =	smul.u32 $0x1C00, s29  }
0x37: {  	[hbm4b:s0+s2] =	stream.linear.scatter [tilespmem:s15], [sflag:$0x3], $0x1900, $0x38;
	[tilespmem:$0x1A900] =	vst v63  }
0x38: {  	s1 =	sshrl.u32 s1, $0x3  }
0x39: {  	s0 =	sadd.s32 s4, s1  }
0x3a: {  	s1 =	sadd.s32 $0x700, s0  }
0x3b: {  	[hbm4b:s1+s2] =	stream.linear.scatter [tilespmem:s16], [sflag:$0x3], $0x1900, $0x38;
	[tilespmem:$0x1A900] =	vst v63  }
0x3c: {  	s0 =	sadd.s32 $0xA80, s0  }
0x3d: {  	[hbm4b:s0+s2] =	stream.linear.scatter [tilespmem:s17], [sflag:$0x3], $0x1900, $0x38;
	[tilespmem:$0x1A900] =	vst v63  }
0x3e: {  	_ =	swait.ge [sflag:s18], $0x6400  }
0x3f: {  	[sflag:s18] =	ssyncset.done $0x0  }
0x40: {  	s0 =	simm.s32 @!p0 $0x4;
	[sflag:s18] =	ssyncadd.s32 $0xFFFF9C00  }
0x41: {  	_ =	swait.ge @!p0 [sflag:s0], $0x1900  }
0x42: {  	[sflag:s0] =	ssyncset.done @!p0 $0x0  }
0x43: {  	[sflag:s0] =	ssyncadd.s32 @!p0 $0xFFFFE700  }
0x44: {  	_ =	swait.ge @!p0 [sflag:s0], $0x1900  }
0x45: {  	[sflag:s0] =	ssyncset.done @!p0 $0x0  }
0x46: {  	[sflag:s0] =	ssyncadd.s32 @!p0 $0xFFFFE700  }
0x47: {  	_ =	swait.ge @!p0 [sflag:s0], $0x1900  }
0x48: {  	[sflag:s0] =	ssyncset.done @!p0 $0x0  }
0x49: {  	[sflag:s0] =	ssyncadd.s32 @!p0 $0xFFFFE700  }
0x4a: {  	_ =	swait.ge @!p0 [sflag:s0], $0x1900  }
0x4b: {  	[sflag:s0] =	ssyncset.done @!p0 $0x0  }
0x4c: {  	s30 =	simm.s32 $0x0;
	[sflag:s0] =	ssyncadd.s32 @!p0 $0xFFFFE700  }
0x4d: {  	v0 =	vld [tilespmem:s30+$0x7D30]  }
0x4e: {  	v1 =	vld [tilespmem:s30+$0x7D00]  }
0x4f: {  	v2 =	vld [tilespmem:s30+$0x7D10]  }
0x50: {  	s31 =	simm.s32 $0x200;
	v3 =	vld [tilespmem:s30+$0x7D20]  }
.LBB2_5:
0x51: {  	p0 =	sne.s32 s31, $0x18E00  }
.Ltmp1:
0x52: {  	s0 =	sshra.s32 s31, $0x2;
	s31 =	sadd.s32 $0x200, s31;
	[tilespmem:s30+$0x14530] =	vst v0;
	(pc) =	sbr.rel @p0 .LBB2_5-.Ltmp1, $4  }
0x53: {  	v0 =	vld [tilespmem:s0+$0x7D30];
	[tilespmem:s30+$0x14500] =	vst v1  }
0x54: {  	v1 =	vld [tilespmem:s0+$0x7D00];
	[tilespmem:s30+$0x14510] =	vst v2  }
0x55: {  	v2 =	vld [tilespmem:s0+$0x7D10];
	[tilespmem:s30+$0x14520] =	vst v3;
	s30 =	smov.u32 s0  }
0x56: {  	v3 =	vld [tilespmem:s30+$0x7D20]  }
0x57: {  	_ = 	snop  }
0x58: {  	[tilespmem:s30+$0x14530] =	vst v0  }
0x59: {  	s1 =	sor.u32 $0x4, s29;
	[tilespmem:s30+$0x14500] =	vst v1  }
0x5a: {  	s0 =	sadd.s32 @!p1 $0x258, s28;
	s31 =	smul.u32 $0x380, s1;
	[tilespmem:s30+$0x14510] =	vst v2  }
0x5b: {  	s28 =	simm.s32 @!p1 $0xC8;
	s29 =	simm.s32 @!p1 $0x7D00;
	s1 =	smul.u32 $0x1C00, s1;
	[tilespmem:s30+$0x14520] =	vst v3  }
0x5c: {  	[tilespmem:s29], [sflag:$0x2] =	stream.indirect.gather @!p1 [hbm4b:s3+s28], $0x80, s0, s28, $0xb8;
	[tilespmem:$0x1A900] =	vst v63  }
0x5d: {  	s29 =	sshrl.u32 s1, $0x3  }
0x5e: {  	s26 =	sadd.s32 $0x1, s26;
	s28 =	sadd.s32 s4, s31;
	s0 =	sadd.s32 s4, s29  }
0x5f: {  	[hbm4b:s28+s2] =	stream.linear.scatter [tilespmem:s19], [sflag:$0x4], $0x1900, $0x38;
	[tilespmem:$0x1A900] =	vst v63  }
0x60: {  	p0 =	sne.s32 s26, $0x10;
	s30 =	sadd.s32 $0x380, s0  }
0x61: {  	[hbm4b:s30+s2] =	stream.linear.scatter [tilespmem:s20], [sflag:$0x4], $0x1900, $0x38;
	[tilespmem:$0x1A900] =	vst v63  }
.Ltmp2:
0x62: {  	_ = 	snop;
	(pc) =	sbr.rel @p0 .LBB2_2-.Ltmp2, $4  }
0x63: {  	s31 =	sadd.s32 $0x700, s0  }
0x64: {  	[hbm4b:s31+s2] =	stream.linear.scatter [tilespmem:s21], [sflag:$0x4], $0x1900, $0x38;
	[tilespmem:$0x1A900] =	vst v63  }
0x65: {  	s0 =	sadd.s32 $0xA80, s0  }
0x66: {  	[hbm4b:s0+s2] =	stream.linear.scatter [tilespmem:s22], [sflag:$0x4], $0x1900, $0x38;
	[tilespmem:$0x1A900] =	vst v63  }
0x67: {  	_ =	swait.ge [sflag:s23], $0x1900  }
0x68: {  	[sflag:s23] =	ssyncset.done $0x0  }
0x69: {  	[sflag:s23] =	ssyncadd.s32 $0xFFFFE700  }
0x6a: {  	_ =	swait.ge [sflag:s23], $0x1900  }
0x6b: {  	[sflag:s23] =	ssyncset.done $0x0  }
0x6c: {  	[sflag:s23] =	ssyncadd.s32 $0xFFFFE700  }
0x6d: {  	_ =	swait.ge [sflag:s23], $0x1900  }
0x6e: {  	[sflag:s23] =	ssyncset.done $0x0  }
0x6f: {  	[sflag:s23] =	ssyncadd.s32 $0xFFFFE700  }
0x70: {  	_ =	swait.ge [sflag:s23], $0x1900  }
0x71: {  	[sflag:s23] =	ssyncset.done $0x0  }
0x72: {  	[sflag:s23] =	ssyncadd.s32 $0xFFFFE700  }
0x73: {  	_ =	swait.ge [sflag:s24], $0x1900  }
0x74: {  	[sflag:s24] =	ssyncset.done $0x0  }
0x75: {  	[sflag:s24] =	ssyncadd.s32 $0xFFFFE700  }
0x76: {  	_ =	swait.ge [sflag:s24], $0x1900  }
0x77: {  	[sflag:s24] =	ssyncset.done $0x0  }
0x78: {  	s25 =	sadd.s32 $0x1, s25;
	[sflag:s24] =	ssyncadd.s32 $0xFFFFE700  }
0x79: {  	p0 =	sne.s32 s25, s8;
	_ =	swait.ge [sflag:s24], $0x1900  }
.Ltmp3:
0x7a: {  	[sflag:s24] =	ssyncset.done $0x0;
	(pc) =	sbr.rel @p0 .LBB2_1-.Ltmp3, $4  }
0x7b: {  	[sflag:s24] =	ssyncadd.s32 $0xFFFFE700  }
0x7c: {  	_ =	swait.ge [sflag:s24], $0x1900  }
0x7d: {  	[sflag:s24] =	ssyncset.done $0x0  }
0x7e: {  	[sflag:s24] =	ssyncadd.s32 $0xFFFFE700  }
0x7f: {  	_ =	sfence.sel $0x180000  }
0x80: {  	[bflag:$0x0] =	sbarrier.arrive $0xFFFF  }
0x81: {  	_ =	strace $0x90000047  }
0x82: {  	s0 =	stileid.u32;
	[bflag:$0x2] =	sbarrier.arrive $0xFFFF  }
0x83: {  	p0 =	sne.s32 s0, $0x0;
	s0 =	rddreg [dreg:$0x1]  }
0x84: {  	s0 =	sadd.s32 @!p0 $0x100000, s0  }
0x85: {  	[sflag:s0] =	ssyncadd.tile.s32 @!p0 $0x1;
	_ =	shalt  }
.Lfunc_end2:
_tile_overlayer_lowered:
.L_overlay_start_2:
0x86: {  	(tag) =	ssettag $0x2  }
0x87: {  	s0 =	rddreg [dreg:$0x0];
	s2 =	stileid.u32  }
0x88: {  	s1 =	rddreg [dreg:$0x1];
	p0 =	sne.s32 s2, $0x0  }
0x89: {  	s3 =	rddreg [dreg:$0x2];
	[bflag:$0x3] =	sbarrier.arrive $0xFFFF;
	s2 =	simm.s32 @!p0 $0x1C05  }
0x8a: {  	[timem:s3], [sflag:s2] =	dma.local @!p0 [hbm:s0], s1  }
0x8b: {  	s0 =	simm.s32 @!p0 $0x5  }
0x8c: {  	_ =	swait.ge @!p0 [sflag:s0], s1  }
0x8d: {  	s1 =	ssub.s32 @!p0 $0x0, s1;
	[sflag:s0] =	ssyncset.done @!p0 $0x0  }
0x8e: {  	[sflag:s0] =	ssyncadd.s32 @!p0 s1  }
0x8f: {  	[bflag:$0x3] =	sbarrier.arrive $0xFFFF  }
0x90: {  	_ =	shalt  }

</sc_bundles>
